<compile_context>
chip_gen: v7x
topology: tpu7x:2x2x1
jax: 0.10.2.dev20260603
libtpu: 0.0.44.dev20260713+nightly
codegen_flags: <defaults>
</compile_context>

<pallas_src>
import functools

import jax
import jax.numpy as jnp
from jax import lax
from jax.experimental import pallas as pl
from jax.experimental.pallas import tpu as pltpu
from jax.experimental.pallas import tpu_sc as plsc

N_ROWS = 10000
E_INCS = 320000
DIM = 128

NC = 2
NS = 16
NW = NC * NS
K = 128
E_PAD = 327680
PER_W = E_PAD // NW
STEPS = PER_W // K
CW = 128
N_PAD = 10240
ROWS_PER_TILE = N_PAD // NS
IDX_ROWS = E_PAD // K


def _sc_hist(idx2d, ones, zeros):
    mesh = plsc.VectorSubcoreMesh(core_axis_name="c", subcore_axis_name="s")

    @functools.partial(
        pl.kernel,
        out_type=jax.ShapeDtypeStruct((NC, N_PAD, CW), jnp.float32),
        mesh=mesh,
        scratch_types=[
            pltpu.VMEM((STEPS, K), jnp.int32),
            pltpu.VMEM((K, CW), jnp.float32),
            pltpu.VMEM((K, CW), jnp.float32),
            pltpu.VMEM_SHARED((N_PAD, CW), jnp.float32),
        ],
    )
    def body(idx_hbm, ones_hbm, zeros_hbm, cnt_hbm,
             idx_all, ones_v, zcw_v, cnt_sh):
        cid = lax.axis_index("c")
        sid = lax.axis_index("s")
        wid = cid * NS + sid

        pltpu.sync_copy(idx_hbm.at[pl.ds(wid * STEPS, STEPS)], idx_all)
        pltpu.sync_copy(ones_hbm, ones_v)
        pltpu.sync_copy(zeros_hbm, zcw_v)

        r0 = sid * ROWS_PER_TILE

        def z(i, _):
            pltpu.sync_copy(zcw_v, cnt_sh.at[pl.ds(r0 + i * K, K)])
            return 0
        lax.fori_loop(0, ROWS_PER_TILE // K, z, 0)
        plsc.subcore_barrier()

        def step(t, _):
            pltpu.sync_copy(ones_v, cnt_sh.at[idx_all.at[t]], add=True)
            return 0
        lax.fori_loop(0, STEPS, step, 0)

        plsc.subcore_barrier()
        pltpu.sync_copy(cnt_sh.at[pl.ds(r0, ROWS_PER_TILE)],
                        cnt_hbm.at[cid, pl.ds(r0, ROWS_PER_TILE)])

    return body(idx2d, ones, zeros)


def _sc_segment_sum(table, src2d, dst2d):
    mesh = plsc.VectorSubcoreMesh(core_axis_name="c", subcore_axis_name="s")

    @functools.partial(
        pl.kernel,
        out_type=jax.ShapeDtypeStruct((NC, N_PAD, DIM), jnp.float32),
        mesh=mesh,
        scratch_types=[
            pltpu.VMEM((STEPS, K), jnp.int32),
            pltpu.VMEM((STEPS, K), jnp.int32),
            pltpu.VMEM((K, DIM), jnp.float32),
            pltpu.VMEM((K, DIM), jnp.float32),
            pltpu.VMEM_SHARED((N_PAD, DIM), jnp.float32),
            pltpu.SemaphoreType.DMA,
            pltpu.SemaphoreType.DMA,
        ],
    )
    def body(table_hbm, src_hbm, dst_hbm, parts_hbm,
             src_all, dst_all, rows0, rows1, acc_sh, sem0, sem1):
        cid = lax.axis_index("c")
        sid = lax.axis_index("s")
        wid = cid * NS + sid

        zero16 = jnp.zeros((16,), jnp.float32)

        def fill(i, _):
            for j in range(DIM // 16):
                rows0[i, pl.ds(j * 16, 16)] = zero16
            return 0
        lax.fori_loop(0, K, fill, 0)

        pltpu.sync_copy(src_hbm.at[pl.ds(wid * STEPS, STEPS)], src_all)
        pltpu.sync_copy(dst_hbm.at[pl.ds(wid * STEPS, STEPS)], dst_all)

        r0 = sid * ROWS_PER_TILE

        def zacc(k_, _):
            pltpu.sync_copy(rows0, acc_sh.at[pl.ds(r0 + k_ * K, K)])
            return 0
        lax.fori_loop(0, ROWS_PER_TILE // K, zacc, 0)

        plsc.subcore_barrier()

        def step(t, _):
            pltpu.async_copy(table_hbm.at[src_all.at[t]], rows0, sem0).wait()
            pltpu.sync_copy(rows0, acc_sh.at[dst_all.at[t]], add=True)
            return 0
        lax.fori_loop(0, STEPS, step, 0)

        plsc.subcore_barrier()

        pltpu.sync_copy(acc_sh.at[pl.ds(r0, ROWS_PER_TILE)],
                        parts_hbm.at[cid, pl.ds(r0, ROWS_PER_TILE)])

    return body(table, src2d, dst2d)


def _tc_matmul(x, w):
    br = 2000

    def mmk(x_ref, w_ref, o_ref):
        o_ref[...] = lax.dot_general(
            x_ref[...], w_ref[...], (((1,), (1,)), ((), ())),
            preferred_element_type=jnp.float32)

    return pl.pallas_call(
        mmk,
        grid=(N_ROWS // br,),
        in_specs=[pl.BlockSpec((br, DIM), lambda i: (i, 0)),
                  pl.BlockSpec((DIM, DIM), lambda i: (0, 0))],
        out_specs=pl.BlockSpec((br, DIM), lambda i: (i, 0)),
        out_shape=jax.ShapeDtypeStruct((N_ROWS, DIM), jnp.float32),
    )(x, w)


def _tc_combine(parts, cnt):
    br = 2048

    def ck(p_ref, c_ref, o_ref):
        c = c_ref[0, :, :1] + c_ref[1, :, :1]
        inv = jnp.where(c > 0, 1.0 / c, 0.0)
        o_ref[...] = (p_ref[0] + p_ref[1]) * inv

    return pl.pallas_call(
        ck,
        grid=(N_PAD // br,),
        in_specs=[pl.BlockSpec((NC, br, DIM), lambda i: (0, i, 0)),
                  pl.BlockSpec((NC, br, CW), lambda i: (0, i, 0))],
        out_specs=pl.BlockSpec((br, DIM), lambda i: (i, 0)),
        out_shape=jax.ShapeDtypeStruct((N_PAD, DIM), jnp.float32),
    )(parts, cnt)


def _tc_final(parts, cnt, x, w_res, bias):
    br = 2000

    def fk(p_ref, c_ref, x_ref, w_ref, b_ref, o_ref):
        c = c_ref[0, :, :1] + c_ref[1, :, :1]
        inv = jnp.where(c > 0, 1.0 / c, 0.0)
        res = lax.dot_general(
            x_ref[...], w_ref[...], (((1,), (1,)), ((), ())),
            preferred_element_type=jnp.float32)
        o_ref[...] = (p_ref[0] + p_ref[1]) * inv + res + b_ref[...]

    return pl.pallas_call(
        fk,
        grid=(N_ROWS // br,),
        in_specs=[pl.BlockSpec((NC, br, DIM), lambda i: (0, i, 0)),
                  pl.BlockSpec((NC, br, CW), lambda i: (0, i, 0)),
                  pl.BlockSpec((br, DIM), lambda i: (i, 0)),
                  pl.BlockSpec((DIM, DIM), lambda i: (0, 0)),
                  pl.BlockSpec((1, DIM), lambda i: (0, 0))],
        out_specs=pl.BlockSpec((br, DIM), lambda i: (i, 0)),
        out_shape=jax.ShapeDtypeStruct((N_ROWS, DIM), jnp.float32),
    )(parts, cnt, x, w_res, bias)


def kernel(x, H, W_conv, b_conv, W_res, b_res):
    node_idx = H[0]
    edge_idx = H[1]
    pad_dst = N_ROWS + (jnp.arange(E_PAD - E_INCS, dtype=jnp.int32) % (N_PAD - N_ROWS))
    node_p = jnp.concatenate([node_idx, pad_dst]).reshape(IDX_ROWS, K)
    edge_p = jnp.concatenate([edge_idx, pad_dst]).reshape(IDX_ROWS, K)
    ones = jnp.ones((K, CW), jnp.float32)
    zeros = jnp.zeros((K, CW), jnp.float32)
    cnt_n = _sc_hist(node_p, ones, zeros)
    cnt_e = _sc_hist(edge_p, ones, zeros)
    xt = jnp.pad(_tc_matmul(x, W_conv), ((0, N_PAD - N_ROWS), (0, 0)))
    parts_e = _sc_segment_sum(xt, node_p, edge_p)
    e_feat = _tc_combine(parts_e, cnt_e)
    parts_n = _sc_segment_sum(e_feat, edge_p, node_p)
    bias = (b_conv + b_res).reshape(1, DIM)
    return _tc_final(parts_n, cnt_n, x, W_res, bias)

# --- scband reference (transcript-rebuilt; emitter-appended) ---
"""Pipeline reference for scband-hgnnlayer-5617817223406 (READ-ONLY COPY).

The authoritative reference and input builder live on the scoring server;
editing this copy changes nothing except your own understanding.
"""

import jax, jax.numpy as jnp
import numpy as np

N = 10000
E_INC = 320000
NUM_HE = 10000
D = 128

def setup_inputs(seed: int = 0):
    key = jax.random.key(seed)
    k1, k2, k3, k4, k5, k6 = jax.random.split(key, 6)
    x = jax.random.normal(k1, (N, D), dtype=jnp.float32)
    H = jax.random.randint(k2, (2, E_INC), 0, N, dtype=jnp.int32)
    s = 1.0 / np.sqrt(D)
    W_conv = jax.random.uniform(k3, (D, D), dtype=jnp.float32, minval=-s, maxval=s)
    b_conv = jax.random.uniform(k4, (D,), dtype=jnp.float32, minval=-s, maxval=s)
    W_res = jax.random.uniform(k5, (D, D), dtype=jnp.float32, minval=-s, maxval=s)
    b_res = jax.random.uniform(k6, (D,), dtype=jnp.float32, minval=-s, maxval=s)
    return {"x": x, "H": H, "W_conv": W_conv, "b_conv": b_conv, "W_res": W_res, "b_res": b_res}

def _hypergraph_conv(x, node_idx, edge_idx, W, b):
    # x' = lin(x) (no bias in PyG internal lin)
    xt = x @ W.T
    hyperedge_weight = jnp.ones((NUM_HE,), dtype=jnp.float32)
    # D = scatter_add(w[edge_idx], node_idx) over nodes
    Dn = jnp.zeros((N,), dtype=jnp.float32).at[node_idx].add(hyperedge_weight[edge_idx])
    Dn = jnp.where(Dn > 0, 1.0 / Dn, 0.0)
    # B = scatter_add(ones, edge_idx) over hyperedges
    Bn = jnp.zeros((NUM_HE,), dtype=jnp.float32).at[edge_idx].add(1.0)
    Bn = jnp.where(Bn > 0, 1.0 / Bn, 0.0)
    # propagate node -> hyperedge: msg = B[dst] * x[src]
    e_feat = jnp.zeros((NUM_HE, D), dtype=jnp.float32).at[edge_idx].add(Bn[edge_idx][:, None] * xt[node_idx])
    # propagate hyperedge -> node: msg = D[dst] * e_feat[src]
    out = jnp.zeros((N, D), dtype=jnp.float32).at[node_idx].add(Dn[node_idx][:, None] * e_feat[edge_idx])
    return out + b

def reference(x, H, W_conv, b_conv, W_res, b_res):
    node_idx = H[0]
    edge_idx = H[1]
    resx = x
    out = _hypergraph_conv(x, node_idx, edge_idx, W_conv, b_conv)
    out = (resx @ W_res.T + b_res) + out
    return out

if __name__ == "__main__":
    import jax
    _d = setup_inputs()
    print(jax.jit(kernel)(*tuple(_d.values())))

</pallas_src>

<mosaic_0001>
#map = affine_map<(d0, d1) -> (0, 0)>
#map1 = affine_map<(d0, d1) -> (0, 0, 0)>
module attributes {stable_mosaic.version = 14 : i64} {
  func.func @body(%arg0: i32, %arg1: i32, %arg2: memref<10240x128xf32, #tpu.memory_space<hbm>>, %arg3: memref<2560x128xi32, #tpu.memory_space<hbm>>, %arg4: memref<2560x128xi32, #tpu.memory_space<hbm>>, %arg5: memref<2x10240x128xf32, #tpu.memory_space<hbm>>, %arg6: memref<80x128xi32, #tpu.memory_space<vmem>>, %arg7: memref<80x128xi32, #tpu.memory_space<vmem>>, %arg8: memref<128x128xf32, #tpu.memory_space<vmem>>, %arg9: memref<128x128xf32, #tpu.memory_space<vmem>>, %arg10: memref<10240x128xf32, #tpu.memory_space<vmem_shared>>, %arg11: memref<!tpu.dma_semaphore, #tpu.memory_space<semaphore_mem>>, %arg12: memref<!tpu.dma_semaphore, #tpu.memory_space<semaphore_mem>>) attributes {dimension_semantics = [#tpu.dimension_semantics<core_parallel>, #tpu.dimension_semantics<subcore_parallel>], iteration_bounds = array<i64: 2, 16>, scalar_prefetch = 0 : i64, scratch_operands = 7 : i64, tpu.core_type = #tpu.core_type<sc_vector_subcore>, window_params = [{transform_indices = #map}, {transform_indices = #map}, {transform_indices = #map}, {transform_indices = #map1}]} {
    %mul3A = arith.constant 16 : i32
    %mul3A_0 = arith.muli %arg0, %mul3A : i32
    %add3A = arith.addi %mul3A_0, %arg1 : i32
    %broadcast_in_dim3A = arith.constant 0.000000e+00 : f32
    %broadcast_in_dim3A_1 = vector.broadcast %broadcast_in_dim3A : f32 to vector<16xf32>
    %scan3A = arith.constant 0 : i32
    %scan3A_2 = arith.constant 0 : i32
    %scan3A_3 = arith.constant 128 : i32
    %scan3A_4 = arith.addi %scan3A_2, %scan3A_3 : i32
    %scan3A_5 = arith.constant 1 : i32
    %scan3A_6 = scf.for %scan3A_29 = %scan3A_2 to %scan3A_4 step %scan3A_5 iter_args(%scan3A_30 = %scan3A) -> (i32)  : i32 {
      %swap3A = arith.index_cast %scan3A_29 : i32 to index
      %swap3A_31 = arith.constant 0 : index
      %swap3A_32 = tpu.vector_load %arg8[%swap3A, %swap3A_31] {strides = array<i32>} : memref<128x128xf32, #tpu.memory_space<vmem>>, vector<1x16xf32>,
      %swap3A_33 = vector.shape_cast %swap3A_32 : vector<1x16xf32> to vector<16xf32>
      %swap3A_34 = vector.shape_cast %broadcast_in_dim3A_1 : vector<16xf32> to vector<1x16xf32>
      tpu.vector_store %arg8[%swap3A, %swap3A_31], %swap3A_34 {strides = array<i32>} : memref<128x128xf32, #tpu.memory_space<vmem>>, vector<1x16xf32>,
      %swap3A_35 = arith.index_cast %scan3A_29 : i32 to index
      %swap3A_36 = arith.constant 16 : index
      %swap3A_37 = tpu.vector_load %arg8[%swap3A_35, %swap3A_36] {strides = array<i32>} : memref<128x128xf32, #tpu.memory_space<vmem>>, vector<1x16xf32>,
      %swap3A_38 = vector.shape_cast %swap3A_37 : vector<1x16xf32> to vector<16xf32>
      %swap3A_39 = vector.shape_cast %broadcast_in_dim3A_1 : vector<16xf32> to vector<1x16xf32>
      tpu.vector_store %arg8[%swap3A_35, %swap3A_36], %swap3A_39 {strides = array<i32>} : memref<128x128xf32, #tpu.memory_space<vmem>>, vector<1x16xf32>,
      %swap3A_40 = arith.index_cast %scan3A_29 : i32 to index
      %swap3A_41 = arith.constant 32 : index
      %swap3A_42 = tpu.vector_load %arg8[%swap3A_40, %swap3A_41] {strides = array<i32>} : memref<128x128xf32, #tpu.memory_space<vmem>>, vector<1x16xf32>,
      %swap3A_43 = vector.shape_cast %swap3A_42 : vector<1x16xf32> to vector<16xf32>
      %swap3A_44 = vector.shape_cast %broadcast_in_dim3A_1 : vector<16xf32> to vector<1x16xf32>
      tpu.vector_store %arg8[%swap3A_40, %swap3A_41], %swap3A_44 {strides = array<i32>} : memref<128x128xf32, #tpu.memory_space<vmem>>, vector<1x16xf32>,
      %swap3A_45 = arith.index_cast %scan3A_29 : i32 to index
      %swap3A_46 = arith.constant 48 : index
      %swap3A_47 = tpu.vector_load %arg8[%swap3A_45, %swap3A_46] {strides = array<i32>} : memref<128x128xf32, #tpu.memory_space<vmem>>, vector<1x16xf32>,
      %swap3A_48 = vector.shape_cast %swap3A_47 : vector<1x16xf32> to vector<16xf32>
      %swap3A_49 = vector.shape_cast %broadcast_in_dim3A_1 : vector<16xf32> to vector<1x16xf32>
      tpu.vector_store %arg8[%swap3A_45, %swap3A_46], %swap3A_49 {strides = array<i32>} : memref<128x128xf32, #tpu.memory_space<vmem>>, vector<1x16xf32>,
      %swap3A_50 = arith.index_cast %scan3A_29 : i32 to index
      %swap3A_51 = arith.constant 64 : index
      %swap3A_52 = tpu.vector_load %arg8[%swap3A_50, %swap3A_51] {strides = array<i32>} : memref<128x128xf32, #tpu.memory_space<vmem>>, vector<1x16xf32>,
      %swap3A_53 = vector.shape_cast %swap3A_52 : vector<1x16xf32> to vector<16xf32>
      %swap3A_54 = vector.shape_cast %broadcast_in_dim3A_1 : vector<16xf32> to vector<1x16xf32>
      tpu.vector_store %arg8[%swap3A_50, %swap3A_51], %swap3A_54 {strides = array<i32>} : memref<128x128xf32, #tpu.memory_space<vmem>>, vector<1x16xf32>,
      %swap3A_55 = arith.index_cast %scan3A_29 : i32 to index
      %swap3A_56 = arith.constant 80 : index
      %swap3A_57 = tpu.vector_load %arg8[%swap3A_55, %swap3A_56] {strides = array<i32>} : memref<128x128xf32, #tpu.memory_space<vmem>>, vector<1x16xf32>,
      %swap3A_58 = vector.shape_cast %swap3A_57 : vector<1x16xf32> to vector<16xf32>
      %swap3A_59 = vector.shape_cast %broadcast_in_dim3A_1 : vector<16xf32> to vector<1x16xf32>
      tpu.vector_store %arg8[%swap3A_55, %swap3A_56], %swap3A_59 {strides = array<i32>} : memref<128x128xf32, #tpu.memory_space<vmem>>, vector<1x16xf32>,
      %swap3A_60 = arith.index_cast %scan3A_29 : i32 to index
      %swap3A_61 = arith.constant 96 : index
      %swap3A_62 = tpu.vector_load %arg8[%swap3A_60, %swap3A_61] {strides = array<i32>} : memref<128x128xf32, #tpu.memory_space<vmem>>, vector<1x16xf32>,
      %swap3A_63 = vector.shape_cast %swap3A_62 : vector<1x16xf32> to vector<16xf32>
      %swap3A_64 = vector.shape_cast %broadcast_in_dim3A_1 : vector<16xf32> to vector<1x16xf32>
      tpu.vector_store %arg8[%swap3A_60, %swap3A_61], %swap3A_64 {strides = array<i32>} : memref<128x128xf32, #tpu.memory_space<vmem>>, vector<1x16xf32>,
      %swap3A_65 = arith.index_cast %scan3A_29 : i32 to index
      %swap3A_66 = arith.constant 112 : index
      %swap3A_67 = tpu.vector_load %arg8[%swap3A_65, %swap3A_66] {strides = array<i32>} : memref<128x128xf32, #tpu.memory_space<vmem>>, vector<1x16xf32>,
      %swap3A_68 = vector.shape_cast %swap3A_67 : vector<1x16xf32> to vector<16xf32>
      %swap3A_69 = vector.shape_cast %broadcast_in_dim3A_1 : vector<16xf32> to vector<1x16xf32>
      tpu.vector_store %arg8[%swap3A_65, %swap3A_66], %swap3A_69 {strides = array<i32>} : memref<128x128xf32, #tpu.memory_space<vmem>>, vector<1x16xf32>,
      %scan3A_70 = arith.constant 0 : i32
      scf.yield %scan3A_70 : i32
    }
    %scan3A_7 = arith.constant 128 : i32
    %mul3A_8 = arith.constant 80 : i32
    %mul3A_9 = arith.muli %add3A, %mul3A_8 : i32
    "tpu.region"() ({
      %run_scoped3A = tpu.sem_alloc : memref<!tpu.dma_semaphore, #tpu.memory_space<semaphore_mem>>
      %dma_start3A = arith.constant 0 : i32
      %dma_start3A_29 = tpu.memref_slice %arg3[%mul3A_9, %dma_start3A] : memref<2560x128xi32, #tpu.memory_space<hbm>> -> memref<80x128xi32, #tpu.memory_space<hbm>>
      %dma_start3A_30 = arith.constant 0 : i32
      %dma_start3A_31 = tpu.memref_slice %arg3[%mul3A_9, %dma_start3A_30] : memref<2560x128xi32, #tpu.memory_space<hbm>> -> memref<80x128xi32, #tpu.memory_space<hbm>>
      tpu.enqueue_dma source(%dma_start3A_31 : memref<80x128xi32, #tpu.memory_space<hbm>>) target(%arg6 : memref<80x128xi32, #tpu.memory_space<vmem>>) target_semaphore(%run_scoped3A : memref<!tpu.dma_semaphore, #tpu.memory_space<semaphore_mem>>)
      %dma_wait3A = arith.constant 0 : i32
      %dma_wait3A_32 = tpu.memref_slice %arg3[%mul3A_9, %dma_wait3A] : memref<2560x128xi32, #tpu.memory_space<hbm>> -> memref<80x128xi32, #tpu.memory_space<hbm>>
      %dma_wait3A_33 = arith.constant 0 : i32
      %dma_wait3A_34 = tpu.memref_slice %arg3[%mul3A_9, %dma_wait3A_33] : memref<2560x128xi32, #tpu.memory_space<hbm>> -> memref<80x128xi32, #tpu.memory_space<hbm>>
      tpu.wait_dma2 semaphore(%run_scoped3A : memref<!tpu.dma_semaphore, #tpu.memory_space<semaphore_mem>>) src(%dma_wait3A_34 : memref<80x128xi32, #tpu.memory_space<hbm>>) dst(%arg6 : memref<80x128xi32, #tpu.memory_space<vmem>>)
      tpu.yield
    }) : () -> ()
    %mul3A_10 = arith.constant 80 : i32
    %mul3A_11 = arith.muli %add3A, %mul3A_10 : i32
    "tpu.region"() ({
      %run_scoped3A = tpu.sem_alloc : memref<!tpu.dma_semaphore, #tpu.memory_space<semaphore_mem>>
      %dma_start3A = arith.constant 0 : i32
      %dma_start3A_29 = tpu.memref_slice %arg4[%mul3A_11, %dma_start3A] : memref<2560x128xi32, #tpu.memory_space<hbm>> -> memref<80x128xi32, #tpu.memory_space<hbm>>
      %dma_start3A_30 = arith.constant 0 : i32
      %dma_start3A_31 = tpu.memref_slice %arg4[%mul3A_11, %dma_start3A_30] : memref<2560x128xi32, #tpu.memory_space<hbm>> -> memref<80x128xi32, #tpu.memory_space<hbm>>
      tpu.enqueue_dma source(%dma_start3A_31 : memref<80x128xi32, #tpu.memory_space<hbm>>) target(%arg7 : memref<80x128xi32, #tpu.memory_space<vmem>>) target_semaphore(%run_scoped3A : memref<!tpu.dma_semaphore, #tpu.memory_space<semaphore_mem>>)
      %dma_wait3A = arith.constant 0 : i32
      %dma_wait3A_32 = tpu.memref_slice %arg4[%mul3A_11, %dma_wait3A] : memref<2560x128xi32, #tpu.memory_space<hbm>> -> memref<80x128xi32, #tpu.memory_space<hbm>>
      %dma_wait3A_33 = arith.constant 0 : i32
      %dma_wait3A_34 = tpu.memref_slice %arg4[%mul3A_11, %dma_wait3A_33] : memref<2560x128xi32, #tpu.memory_space<hbm>> -> memref<80x128xi32, #tpu.memory_space<hbm>>
      tpu.wait_dma2 semaphore(%run_scoped3A : memref<!tpu.dma_semaphore, #tpu.memory_space<semaphore_mem>>) src(%dma_wait3A_34 : memref<80x128xi32, #tpu.memory_space<hbm>>) dst(%arg7 : memref<80x128xi32, #tpu.memory_space<vmem>>)
      tpu.yield
    }) : () -> ()
    %mul3A_12 = arith.constant 640 : i32
    %mul3A_13 = arith.muli %arg1, %mul3A_12 : i32
    %scan3A_14 = arith.constant 0 : i32
    %scan3A_15 = arith.constant 0 : i32
    %scan3A_16 = arith.constant 5 : i32
    %scan3A_17 = arith.addi %scan3A_15, %scan3A_16 : i32
    %scan3A_18 = arith.constant 1 : i32
    %scan3A_19 = scf.for %scan3A_29 = %scan3A_15 to %scan3A_17 step %scan3A_18 iter_args(%scan3A_30 = %scan3A_14) -> (i32)  : i32 {
      %mul3A_31 = arith.constant 128 : i32
      %mul3A_32 = arith.muli %scan3A_29, %mul3A_31 : i32
      %add3A_33 = arith.addi %mul3A_13, %mul3A_32 : i32
      "tpu.region"() ({
        %run_scoped3A = tpu.sem_alloc : memref<!tpu.dma_semaphore, #tpu.memory_space<semaphore_mem>>
        %dma_start3A = arith.constant 0 : i32
        %dma_start3A_35 = tpu.memref_slice %arg10[%add3A_33, %dma_start3A] : memref<10240x128xf32, #tpu.memory_space<vmem_shared>> -> memref<128x128xf32, #tpu.memory_space<vmem_shared>>
        %dma_start3A_36 = arith.constant 0 : i32
        %dma_start3A_37 = tpu.memref_slice %arg10[%add3A_33, %dma_start3A_36] : memref<10240x128xf32, #tpu.memory_space<vmem_shared>> -> memref<128x128xf32, #tpu.memory_space<vmem_shared>>
        tpu.enqueue_dma source(%arg8 : memref<128x128xf32, #tpu.memory_space<vmem>>) target(%dma_start3A_37 : memref<128x128xf32, #tpu.memory_space<vmem_shared>>) target_semaphore(%run_scoped3A : memref<!tpu.dma_semaphore, #tpu.memory_space<semaphore_mem>>)
        %dma_wait3A = arith.constant 0 : i32
        %dma_wait3A_38 = tpu.memref_slice %arg10[%add3A_33, %dma_wait3A] : memref<10240x128xf32, #tpu.memory_space<vmem_shared>> -> memref<128x128xf32, #tpu.memory_space<vmem_shared>>
        %dma_wait3A_39 = arith.constant 0 : i32
        %dma_wait3A_40 = tpu.memref_slice %arg10[%add3A_33, %dma_wait3A_39] : memref<10240x128xf32, #tpu.memory_space<vmem_shared>> -> memref<128x128xf32, #tpu.memory_space<vmem_shared>>
        tpu.wait_dma2 semaphore(%run_scoped3A : memref<!tpu.dma_semaphore, #tpu.memory_space<semaphore_mem>>) src(%arg8 : memref<128x128xf32, #tpu.memory_space<vmem>>) dst(%dma_wait3A_40 : memref<128x128xf32, #tpu.memory_space<vmem_shared>>)
        tpu.yield
      }) : () -> ()
      %scan3A_34 = arith.constant 0 : i32
      scf.yield %scan3A_34 : i32
    }
    %scan3A_20 = arith.constant 5 : i32
    %barrier3A = arith.constant 0 : index
    tpu.barrier barrier_id(%barrier3A)
    %scan3A_21 = arith.constant 0 : i32
    %scan3A_22 = arith.constant 0 : i32
    %scan3A_23 = arith.constant 80 : i32
    %scan3A_24 = arith.addi %scan3A_22, %scan3A_23 : i32
    %scan3A_25 = arith.constant 1 : i32
    %scan3A_26 = scf.for %scan3A_29 = %scan3A_22 to %scan3A_24 step %scan3A_25 iter_args(%scan3A_30 = %scan3A_21) -> (i32)  : i32 {
      %dma_start3A = arith.constant 0 : i32
      %dma_start3A_31 = tpu.memref_slice %arg6[%scan3A_29, %dma_start3A] : memref<80x128xi32, #tpu.memory_space<vmem>> -> memref<1x128xi32, #tpu.memory_space<vmem>>
      %dma_start3A_32 = tpu.memref_squeeze %dma_start3A_31 : memref<1x128xi32, #tpu.memory_space<vmem>> -> memref<128xi32, #tpu.memory_space<vmem>>
      %dma_start3A_33 = arith.constant 0 : i32
      %dma_start3A_34 = arith.constant 0 : i32
      %dma_start3A_35 = tpu.memref_slice %arg2[%dma_start3A_33, %dma_start3A_34] : memref<10240x128xf32, #tpu.memory_space<hbm>> -> memref<10240x128xf32, #tpu.memory_space<hbm>>
      tpu.enqueue_indirect_dma source(%dma_start3A_35 : memref<10240x128xf32, #tpu.memory_space<hbm>>) target(%arg8 : memref<128x128xf32, #tpu.memory_space<vmem>>) offsets(%dma_start3A_32 : memref<128xi32, #tpu.memory_space<vmem>>) semaphore(%arg11 : memref<!tpu.dma_semaphore, #tpu.memory_space<semaphore_mem>>)
      %dma_wait3A = arith.constant 0 : i32
      %dma_wait3A_36 = tpu.memref_slice %arg6[%scan3A_29, %dma_wait3A] : memref<80x128xi32, #tpu.memory_space<vmem>> -> memref<1x128xi32, #tpu.memory_space<vmem>>
      %dma_wait3A_37 = tpu.memref_squeeze %dma_wait3A_36 : memref<1x128xi32, #tpu.memory_space<vmem>> -> memref<128xi32, #tpu.memory_space<vmem>>
      %dma_wait3A_38 = arith.constant 0 : i32
      %dma_wait3A_39 = arith.constant 0 : i32
      %dma_wait3A_40 = tpu.memref_slice %arg2[%dma_wait3A_38, %dma_wait3A_39] : memref<10240x128xf32, #tpu.memory_space<hbm>> -> memref<10240x128xf32, #tpu.memory_space<hbm>>
      tpu.wait_indirect_dma semaphore(%arg11 : memref<!tpu.dma_semaphore, #tpu.memory_space<semaphore_mem>>) src(%dma_wait3A_40 : memref<10240x128xf32, #tpu.memory_space<hbm>>) dst(%arg8 : memref<128x128xf32, #tpu.memory_space<vmem>>)
      "tpu.region"() ({
        %run_scoped3A = tpu.sem_alloc : memref<!tpu.dma_semaphore, #tpu.memory_space<semaphore_mem>>
        %dma_start3A_42 = arith.constant 0 : i32
        %dma_start3A_43 = tpu.memref_slice %arg7[%scan3A_29, %dma_start3A_42] : memref<80x128xi32, #tpu.memory_space<vmem>> -> memref<1x128xi32, #tpu.memory_space<vmem>>
        %dma_start3A_44 = tpu.memref_squeeze %dma_start3A_43 : memref<1x128xi32, #tpu.memory_space<vmem>> -> memref<128xi32, #tpu.memory_space<vmem>>
        %dma_start3A_45 = arith.constant 0 : i32
        %dma_start3A_46 = arith.constant 0 : i32
        %dma_start3A_47 = tpu.memref_slice %arg10[%dma_start3A_45, %dma_start3A_46] : memref<10240x128xf32, #tpu.memory_space<vmem_shared>> -> memref<10240x128xf32, #tpu.memory_space<vmem_shared>>
        tpu.enqueue_indirect_dma source(%arg8 : memref<128x128xf32, #tpu.memory_space<vmem>>) target(%dma_start3A_47 : memref<10240x128xf32, #tpu.memory_space<vmem_shared>>) offsets(%dma_start3A_44 : memref<128xi32, #tpu.memory_space<vmem>>) semaphore(%run_scoped3A : memref<!tpu.dma_semaphore, #tpu.memory_space<semaphore_mem>>) {add = true}
        %dma_wait3A_48 = arith.constant 0 : i32
        %dma_wait3A_49 = tpu.memref_slice %arg7[%scan3A_29, %dma_wait3A_48] : memref<80x128xi32, #tpu.memory_space<vmem>> -> memref<1x128xi32, #tpu.memory_space<vmem>>
        %dma_wait3A_50 = tpu.memref_squeeze %dma_wait3A_49 : memref<1x128xi32, #tpu.memory_space<vmem>> -> memref<128xi32, #tpu.memory_space<vmem>>
        %dma_wait3A_51 = arith.constant 0 : i32
        %dma_wait3A_52 = arith.constant 0 : i32
        %dma_wait3A_53 = tpu.memref_slice %arg10[%dma_wait3A_51, %dma_wait3A_52] : memref<10240x128xf32, #tpu.memory_space<vmem_shared>> -> memref<10240x128xf32, #tpu.memory_space<vmem_shared>>
        tpu.wait_indirect_dma semaphore(%run_scoped3A : memref<!tpu.dma_semaphore, #tpu.memory_space<semaphore_mem>>) src(%arg8 : memref<128x128xf32, #tpu.memory_space<vmem>>) dst(%dma_wait3A_53 : memref<10240x128xf32, #tpu.memory_space<vmem_shared>>)
        tpu.yield
      }) : () -> ()
      %scan3A_41 = arith.constant 0 : i32
      scf.yield %scan3A_41 : i32
    }
    %scan3A_27 = arith.constant 80 : i32
    %barrier3A_28 = arith.constant 0 : index
    tpu.barrier barrier_id(%barrier3A_28)
    "tpu.region"() ({
      %run_scoped3A = tpu.sem_alloc : memref<!tpu.dma_semaphore, #tpu.memory_space<semaphore_mem>>
      %dma_start3A = arith.constant 0 : i32
      %dma_start3A_29 = tpu.memref_slice %arg5[%arg0, %mul3A_13, %dma_start3A] : memref<2x10240x128xf32, #tpu.memory_space<hbm>> -> memref<1x640x128xf32, #tpu.memory_space<hbm>>
      %dma_start3A_30 = tpu.memref_squeeze %dma_start3A_29 : memref<1x640x128xf32, #tpu.memory_space<hbm>> -> memref<640x128xf32, #tpu.memory_space<hbm>>
      %dma_start3A_31 = arith.constant 0 : i32
      %dma_start3A_32 = tpu.memref_slice %arg10[%mul3A_13, %dma_start3A_31] : memref<10240x128xf32, #tpu.memory_space<vmem_shared>> -> memref<640x128xf32, #tpu.memory_space<vmem_shared>>
      tpu.enqueue_dma source(%dma_start3A_32 : memref<640x128xf32, #tpu.memory_space<vmem_shared>>) target(%dma_start3A_30 : memref<640x128xf32, #tpu.memory_space<hbm>>) target_semaphore(%run_scoped3A : memref<!tpu.dma_semaphore, #tpu.memory_space<semaphore_mem>>)
      %dma_wait3A = arith.constant 0 : i32
      %dma_wait3A_33 = tpu.memref_slice %arg5[%arg0, %mul3A_13, %dma_wait3A] : memref<2x10240x128xf32, #tpu.memory_space<hbm>> -> memref<1x640x128xf32, #tpu.memory_space<hbm>>
      %dma_wait3A_34 = tpu.memref_squeeze %dma_wait3A_33 : memref<1x640x128xf32, #tpu.memory_space<hbm>> -> memref<640x128xf32, #tpu.memory_space<hbm>>
      %dma_wait3A_35 = arith.constant 0 : i32
      %dma_wait3A_36 = tpu.memref_slice %arg10[%mul3A_13, %dma_wait3A_35] : memref<10240x128xf32, #tpu.memory_space<vmem_shared>> -> memref<640x128xf32, #tpu.memory_space<vmem_shared>>
      tpu.wait_dma2 semaphore(%run_scoped3A : memref<!tpu.dma_semaphore, #tpu.memory_space<semaphore_mem>>) src(%dma_wait3A_36 : memref<640x128xf32, #tpu.memory_space<vmem_shared>>) dst(%dma_wait3A_34 : memref<640x128xf32, #tpu.memory_space<hbm>>)
      tpu.yield
    }) : () -> ()
    return
  }
}

#map = affine_map<(d0, d1) -> (0, 0)>
#map1 = affine_map<(d0, d1) -> (0, 0, 0)>
module attributes {stable_mosaic.version = 14 : i64} {
  func.func @body(%arg0: i32, %arg1: i32, %arg2: memref<10240x128xf32, #tpu.memory_space<hbm>>, %arg3: memref<2560x128xi32, #tpu.memory_space<hbm>>, %arg4: memref<2560x128xi32, #tpu.memory_space<hbm>>, %arg5: memref<2x10240x128xf32, #tpu.memory_space<hbm>>, %arg6: memref<80x128xi32, #tpu.memory_space<vmem>>, %arg7: memref<80x128xi32, #tpu.memory_space<vmem>>, %arg8: memref<128x128xf32, #tpu.memory_space<vmem>>, %arg9: memref<128x128xf32, #tpu.memory_space<vmem>>, %arg10: memref<10240x128xf32, #tpu.memory_space<vmem_shared>>, %arg11: memref<!tpu.dma_semaphore, #tpu.memory_space<semaphore_mem>>, %arg12: memref<!tpu.dma_semaphore, #tpu.memory_space<semaphore_mem>>) attributes {dimension_semantics = [#tpu.dimension_semantics<core_parallel>, #tpu.dimension_semantics<subcore_parallel>], iteration_bounds = array<i64: 2, 16>, scalar_prefetch = 0 : i64, scratch_operands = 7 : i64, tpu.core_type = #tpu.core_type<sc_vector_subcore>, window_params = [{transform_indices = #map}, {transform_indices = #map}, {transform_indices = #map}, {transform_indices = #map1}]} {
    %mul3A = arith.constant 16 : i32
    %mul3A_0 = arith.muli %arg0, %mul3A : i32
    %add3A = arith.addi %mul3A_0, %arg1 : i32
    %broadcast_in_dim3A = arith.constant 0.000000e+00 : f32
    %broadcast_in_dim3A_1 = vector.broadcast %broadcast_in_dim3A : f32 to vector<16xf32>
    %scan3A = arith.constant 0 : i32
    %scan3A_2 = arith.constant 0 : i32
    %scan3A_3 = arith.constant 128 : i32
    %scan3A_4 = arith.addi %scan3A_2, %scan3A_3 : i32
    %scan3A_5 = arith.constant 1 : i32
    %scan3A_6 = scf.for %scan3A_29 = %scan3A_2 to %scan3A_4 step %scan3A_5 iter_args(%scan3A_30 = %scan3A) -> (i32)  : i32 {
      %swap3A = arith.index_cast %scan3A_29 : i32 to index
      %swap3A_31 = arith.constant 0 : index
      %swap3A_32 = tpu.vector_load %arg8[%swap3A, %swap3A_31] {strides = array<i32>} : memref<128x128xf32, #tpu.memory_space<vmem>>, vector<1x16xf32>,
      %swap3A_33 = vector.shape_cast %swap3A_32 : vector<1x16xf32> to vector<16xf32>
      %swap3A_34 = vector.shape_cast %broadcast_in_dim3A_1 : vector<16xf32> to vector<1x16xf32>
      tpu.vector_store %arg8[%swap3A, %swap3A_31], %swap3A_34 {strides = array<i32>} : memref<128x128xf32, #tpu.memory_space<vmem>>, vector<1x16xf32>,
      %swap3A_35 = arith.index_cast %scan3A_29 : i32 to index
      %swap3A_36 = arith.constant 16 : index
      %swap3A_37 = tpu.vector_load %arg8[%swap3A_35, %swap3A_36] {strides = array<i32>} : memref<128x128xf32, #tpu.memory_space<vmem>>, vector<1x16xf32>,
      %swap3A_38 = vector.shape_cast %swap3A_37 : vector<1x16xf32> to vector<16xf32>
      %swap3A_39 = vector.shape_cast %broadcast_in_dim3A_1 : vector<16xf32> to vector<1x16xf32>
      tpu.vector_store %arg8[%swap3A_35, %swap3A_36], %swap3A_39 {strides = array<i32>} : memref<128x128xf32, #tpu.memory_space<vmem>>, vector<1x16xf32>,
      %swap3A_40 = arith.index_cast %scan3A_29 : i32 to index
      %swap3A_41 = arith.constant 32 : index
      %swap3A_42 = tpu.vector_load %arg8[%swap3A_40, %swap3A_41] {strides = array<i32>} : memref<128x128xf32, #tpu.memory_space<vmem>>, vector<1x16xf32>,
      %swap3A_43 = vector.shape_cast %swap3A_42 : vector<1x16xf32> to vector<16xf32>
      %swap3A_44 = vector.shape_cast %broadcast_in_dim3A_1 : vector<16xf32> to vector<1x16xf32>
      tpu.vector_store %arg8[%swap3A_40, %swap3A_41], %swap3A_44 {strides = array<i32>} : memref<128x128xf32, #tpu.memory_space<vmem>>, vector<1x16xf32>,
      %swap3A_45 = arith.index_cast %scan3A_29 : i32 to index
      %swap3A_46 = arith.constant 48 : index
      %swap3A_47 = tpu.vector_load %arg8[%swap3A_45, %swap3A_46] {strides = array<i32>} : memref<128x128xf32, #tpu.memory_space<vmem>>, vector<1x16xf32>,
      %swap3A_48 = vector.shape_cast %swap3A_47 : vector<1x16xf32> to vector<16xf32>
      %swap3A_49 = vector.shape_cast %broadcast_in_dim3A_1 : vector<16xf32> to vector<1x16xf32>
      tpu.vector_store %arg8[%swap3A_45, %swap3A_46], %swap3A_49 {strides = array<i32>} : memref<128x128xf32, #tpu.memory_space<vmem>>, vector<1x16xf32>,
      %swap3A_50 = arith.index_cast %scan3A_29 : i32 to index
      %swap3A_51 = arith.constant 64 : index
      %swap3A_52 = tpu.vector_load %arg8[%swap3A_50, %swap3A_51] {strides = array<i32>} : memref<128x128xf32, #tpu.memory_space<vmem>>, vector<1x16xf32>,
      %swap3A_53 = vector.shape_cast %swap3A_52 : vector<1x16xf32> to vector<16xf32>
      %swap3A_54 = vector.shape_cast %broadcast_in_dim3A_1 : vector<16xf32> to vector<1x16xf32>
      tpu.vector_store %arg8[%swap3A_50, %swap3A_51], %swap3A_54 {strides = array<i32>} : memref<128x128xf32, #tpu.memory_space<vmem>>, vector<1x16xf32>,
      %swap3A_55 = arith.index_cast %scan3A_29 : i32 to index
      %swap3A_56 = arith.constant 80 : index
      %swap3A_57 = tpu.vector_load %arg8[%swap3A_55, %swap3A_56] {strides = array<i32>} : memref<128x128xf32, #tpu.memory_space<vmem>>, vector<1x16xf32>,
      %swap3A_58 = vector.shape_cast %swap3A_57 : vector<1x16xf32> to vector<16xf32>
      %swap3A_59 = vector.shape_cast %broadcast_in_dim3A_1 : vector<16xf32> to vector<1x16xf32>
      tpu.vector_store %arg8[%swap3A_55, %swap3A_56], %swap3A_59 {strides = array<i32>} : memref<128x128xf32, #tpu.memory_space<vmem>>, vector<1x16xf32>,
      %swap3A_60 = arith.index_cast %scan3A_29 : i32 to index
      %swap3A_61 = arith.constant 96 : index
      %swap3A_62 = tpu.vector_load %arg8[%swap3A_60, %swap3A_61] {strides = array<i32>} : memref<128x128xf32, #tpu.memory_space<vmem>>, vector<1x16xf32>,
      %swap3A_63 = vector.shape_cast %swap3A_62 : vector<1x16xf32> to vector<16xf32>
      %swap3A_64 = vector.shape_cast %broadcast_in_dim3A_1 : vector<16xf32> to vector<1x16xf32>
      tpu.vector_store %arg8[%swap3A_60, %swap3A_61], %swap3A_64 {strides = array<i32>} : memref<128x128xf32, #tpu.memory_space<vmem>>, vector<1x16xf32>,
      %swap3A_65 = arith.index_cast %scan3A_29 : i32 to index
      %swap3A_66 = arith.constant 112 : index
      %swap3A_67 = tpu.vector_load %arg8[%swap3A_65, %swap3A_66] {strides = array<i32>} : memref<128x128xf32, #tpu.memory_space<vmem>>, vector<1x16xf32>,
      %swap3A_68 = vector.shape_cast %swap3A_67 : vector<1x16xf32> to vector<16xf32>
      %swap3A_69 = vector.shape_cast %broadcast_in_dim3A_1 : vector<16xf32> to vector<1x16xf32>
      tpu.vector_store %arg8[%swap3A_65, %swap3A_66], %swap3A_69 {strides = array<i32>} : memref<128x128xf32, #tpu.memory_space<vmem>>, vector<1x16xf32>,
      %scan3A_70 = arith.constant 0 : i32
      scf.yield %scan3A_70 : i32
    }
    %scan3A_7 = arith.constant 128 : i32
    %mul3A_8 = arith.constant 80 : i32
    %mul3A_9 = arith.muli %add3A, %mul3A_8 : i32
    "tpu.region"() ({
      %run_scoped3A = tpu.sem_alloc : memref<!tpu.dma_semaphore, #tpu.memory_space<semaphore_mem>>
      %dma_start3A = arith.constant 0 : i32
      %dma_start3A_29 = tpu.memref_slice %arg3[%mul3A_9, %dma_start3A] : memref<2560x128xi32, #tpu.memory_space<hbm>> -> memref<80x128xi32, #tpu.memory_space<hbm>>
      %dma_start3A_30 = arith.constant 0 : i32
      %dma_start3A_31 = tpu.memref_slice %arg3[%mul3A_9, %dma_start3A_30] : memref<2560x128xi32, #tpu.memory_space<hbm>> -> memref<80x128xi32, #tpu.memory_space<hbm>>
      tpu.enqueue_dma source(%dma_start3A_31 : memref<80x128xi32, #tpu.memory_space<hbm>>) target(%arg6 : memref<80x128xi32, #tpu.memory_space<vmem>>) target_semaphore(%run_scoped3A : memref<!tpu.dma_semaphore, #tpu.memory_space<semaphore_mem>>)
      %dma_wait3A = arith.constant 0 : i32
      %dma_wait3A_32 = tpu.memref_slice %arg3[%mul3A_9, %dma_wait3A] : memref<2560x128xi32, #tpu.memory_space<hbm>> -> memref<80x128xi32, #tpu.memory_space<hbm>>
      %dma_wait3A_33 = arith.constant 0 : i32
      %dma_wait3A_34 = tpu.memref_slice %arg3[%mul3A_9, %dma_wait3A_33] : memref<2560x128xi32, #tpu.memory_space<hbm>> -> memref<80x128xi32, #tpu.memory_space<hbm>>
      tpu.wait_dma2 semaphore(%run_scoped3A : memref<!tpu.dma_semaphore, #tpu.memory_space<semaphore_mem>>) src(%dma_wait3A_34 : memref<80x128xi32, #tpu.memory_space<hbm>>) dst(%arg6 : memref<80x128xi32, #tpu.memory_space<vmem>>)
      tpu.yield
    }) : () -> ()
    %mul3A_10 = arith.constant 80 : i32
    %mul3A_11 = arith.muli %add3A, %mul3A_10 : i32
    "tpu.region"() ({
      %run_scoped3A = tpu.sem_alloc : memref<!tpu.dma_semaphore, #tpu.memory_space<semaphore_mem>>
      %dma_start3A = arith.constant 0 : i32
      %dma_start3A_29 = tpu.memref_slice %arg4[%mul3A_11, %dma_start3A] : memref<2560x128xi32, #tpu.memory_space<hbm>> -> memref<80x128xi32, #tpu.memory_space<hbm>>
      %dma_start3A_30 = arith.constant 0 : i32
      %dma_start3A_31 = tpu.memref_slice %arg4[%mul3A_11, %dma_start3A_30] : memref<2560x128xi32, #tpu.memory_space<hbm>> -> memref<80x128xi32, #tpu.memory_space<hbm>>
      tpu.enqueue_dma source(%dma_start3A_31 : memref<80x128xi32, #tpu.memory_space<hbm>>) target(%arg7 : memref<80x128xi32, #tpu.memory_space<vmem>>) target_semaphore(%run_scoped3A : memref<!tpu.dma_semaphore, #tpu.memory_space<semaphore_mem>>)
      %dma_wait3A = arith.constant 0 : i32
      %dma_wait3A_32 = tpu.memref_slice %arg4[%mul3A_11, %dma_wait3A] : memref<2560x128xi32, #tpu.memory_space<hbm>> -> memref<80x128xi32, #tpu.memory_space<hbm>>
      %dma_wait3A_33 = arith.constant 0 : i32
      %dma_wait3A_34 = tpu.memref_slice %arg4[%mul3A_11, %dma_wait3A_33] : memref<2560x128xi32, #tpu.memory_space<hbm>> -> memref<80x128xi32, #tpu.memory_space<hbm>>
      tpu.wait_dma2 semaphore(%run_scoped3A : memref<!tpu.dma_semaphore, #tpu.memory_space<semaphore_mem>>) src(%dma_wait3A_34 : memref<80x128xi32, #tpu.memory_space<hbm>>) dst(%arg7 : memref<80x128xi32, #tpu.memory_space<vmem>>)
      tpu.yield
    }) : () -> ()
    %mul3A_12 = arith.constant 640 : i32
    %mul3A_13 = arith.muli %arg1, %mul3A_12 : i32
    %scan3A_14 = arith.constant 0 : i32
    %scan3A_15 = arith.constant 0 : i32
    %scan3A_16 = arith.constant 5 : i32
    %scan3A_17 = arith.addi %scan3A_15, %scan3A_16 : i32
    %scan3A_18 = arith.constant 1 : i32
    %scan3A_19 = scf.for %scan3A_29 = %scan3A_15 to %scan3A_17 step %scan3A_18 iter_args(%scan3A_30 = %scan3A_14) -> (i32)  : i32 {
      %mul3A_31 = arith.constant 128 : i32
      %mul3A_32 = arith.muli %scan3A_29, %mul3A_31 : i32
      %add3A_33 = arith.addi %mul3A_13, %mul3A_32 : i32
      "tpu.region"() ({
        %run_scoped3A = tpu.sem_alloc : memref<!tpu.dma_semaphore, #tpu.memory_space<semaphore_mem>>
        %dma_start3A = arith.constant 0 : i32
        %dma_start3A_35 = tpu.memref_slice %arg10[%add3A_33, %dma_start3A] : memref<10240x128xf32, #tpu.memory_space<vmem_shared>> -> memref<128x128xf32, #tpu.memory_space<vmem_shared>>
        %dma_start3A_36 = arith.constant 0 : i32
        %dma_start3A_37 = tpu.memref_slice %arg10[%add3A_33, %dma_start3A_36] : memref<10240x128xf32, #tpu.memory_space<vmem_shared>> -> memref<128x128xf32, #tpu.memory_space<vmem_shared>>
        tpu.enqueue_dma source(%arg8 : memref<128x128xf32, #tpu.memory_space<vmem>>) target(%dma_start3A_37 : memref<128x128xf32, #tpu.memory_space<vmem_shared>>) target_semaphore(%run_scoped3A : memref<!tpu.dma_semaphore, #tpu.memory_space<semaphore_mem>>)
        %dma_wait3A = arith.constant 0 : i32
        %dma_wait3A_38 = tpu.memref_slice %arg10[%add3A_33, %dma_wait3A] : memref<10240x128xf32, #tpu.memory_space<vmem_shared>> -> memref<128x128xf32, #tpu.memory_space<vmem_shared>>
        %dma_wait3A_39 = arith.constant 0 : i32
        %dma_wait3A_40 = tpu.memref_slice %arg10[%add3A_33, %dma_wait3A_39] : memref<10240x128xf32, #tpu.memory_space<vmem_shared>> -> memref<128x128xf32, #tpu.memory_space<vmem_shared>>
        tpu.wait_dma2 semaphore(%run_scoped3A : memref<!tpu.dma_semaphore, #tpu.memory_space<semaphore_mem>>) src(%arg8 : memref<128x128xf32, #tpu.memory_space<vmem>>) dst(%dma_wait3A_40 : memref<128x128xf32, #tpu.memory_space<vmem_shared>>)
        tpu.yield
      }) : () -> ()
      %scan3A_34 = arith.constant 0 : i32
      scf.yield %scan3A_34 : i32
    }
    %scan3A_20 = arith.constant 5 : i32
    %barrier3A = arith.constant 0 : index
    tpu.barrier barrier_id(%barrier3A)
    %scan3A_21 = arith.constant 0 : i32
    %scan3A_22 = arith.constant 0 : i32
    %scan3A_23 = arith.constant 80 : i32
    %scan3A_24 = arith.addi %scan3A_22, %scan3A_23 : i32
    %scan3A_25 = arith.constant 1 : i32
    %scan3A_26 = scf.for %scan3A_29 = %scan3A_22 to %scan3A_24 step %scan3A_25 iter_args(%scan3A_30 = %scan3A_21) -> (i32)  : i32 {
      %dma_start3A = arith.constant 0 : i32
      %dma_start3A_31 = tpu.memref_slice %arg6[%scan3A_29, %dma_start3A] : memref<80x128xi32, #tpu.memory_space<vmem>> -> memref<1x128xi32, #tpu.memory_space<vmem>>
      %dma_start3A_32 = tpu.memref_squeeze %dma_start3A_31 : memref<1x128xi32, #tpu.memory_space<vmem>> -> memref<128xi32, #tpu.memory_space<vmem>>
      %dma_start3A_33 = arith.constant 0 : i32
      %dma_start3A_34 = arith.constant 0 : i32
      %dma_start3A_35 = tpu.memref_slice %arg2[%dma_start3A_33, %dma_start3A_34] : memref<10240x128xf32, #tpu.memory_space<hbm>> -> memref<10240x128xf32, #tpu.memory_space<hbm>>
      tpu.enqueue_indirect_dma source(%dma_start3A_35 : memref<10240x128xf32, #tpu.memory_space<hbm>>) target(%arg8 : memref<128x128xf32, #tpu.memory_space<vmem>>) offsets(%dma_start3A_32 : memref<128xi32, #tpu.memory_space<vmem>>) semaphore(%arg11 : memref<!tpu.dma_semaphore, #tpu.memory_space<semaphore_mem>>)
      %dma_wait3A = arith.constant 0 : i32
      %dma_wait3A_36 = tpu.memref_slice %arg6[%scan3A_29, %dma_wait3A] : memref<80x128xi32, #tpu.memory_space<vmem>> -> memref<1x128xi32, #tpu.memory_space<vmem>>
      %dma_wait3A_37 = tpu.memref_squeeze %dma_wait3A_36 : memref<1x128xi32, #tpu.memory_space<vmem>> -> memref<128xi32, #tpu.memory_space<vmem>>
      %dma_wait3A_38 = arith.constant 0 : i32
      %dma_wait3A_39 = arith.constant 0 : i32
      %dma_wait3A_40 = tpu.memref_slice %arg2[%dma_wait3A_38, %dma_wait3A_39] : memref<10240x128xf32, #tpu.memory_space<hbm>> -> memref<10240x128xf32, #tpu.memory_space<hbm>>
      tpu.wait_indirect_dma semaphore(%arg11 : memref<!tpu.dma_semaphore, #tpu.memory_space<semaphore_mem>>) src(%dma_wait3A_40 : memref<10240x128xf32, #tpu.memory_space<hbm>>) dst(%arg8 : memref<128x128xf32, #tpu.memory_space<vmem>>)
      "tpu.region"() ({
        %run_scoped3A = tpu.sem_alloc : memref<!tpu.dma_semaphore, #tpu.memory_space<semaphore_mem>>
        %dma_start3A_42 = arith.constant 0 : i32
        %dma_start3A_43 = tpu.memref_slice %arg7[%scan3A_29, %dma_start3A_42] : memref<80x128xi32, #tpu.memory_space<vmem>> -> memref<1x128xi32, #tpu.memory_space<vmem>>
        %dma_start3A_44 = tpu.memref_squeeze %dma_start3A_43 : memref<1x128xi32, #tpu.memory_space<vmem>> -> memref<128xi32, #tpu.memory_space<vmem>>
        %dma_start3A_45 = arith.constant 0 : i32
        %dma_start3A_46 = arith.constant 0 : i32
        %dma_start3A_47 = tpu.memref_slice %arg10[%dma_start3A_45, %dma_start3A_46] : memref<10240x128xf32, #tpu.memory_space<vmem_shared>> -> memref<10240x128xf32, #tpu.memory_space<vmem_shared>>
        tpu.enqueue_indirect_dma source(%arg8 : memref<128x128xf32, #tpu.memory_space<vmem>>) target(%dma_start3A_47 : memref<10240x128xf32, #tpu.memory_space<vmem_shared>>) offsets(%dma_start3A_44 : memref<128xi32, #tpu.memory_space<vmem>>) semaphore(%run_scoped3A : memref<!tpu.dma_semaphore, #tpu.memory_space<semaphore_mem>>) {add = true}
        %dma_wait3A_48 = arith.constant 0 : i32
        %dma_wait3A_49 = tpu.memref_slice %arg7[%scan3A_29, %dma_wait3A_48] : memref<80x128xi32, #tpu.memory_space<vmem>> -> memref<1x128xi32, #tpu.memory_space<vmem>>
        %dma_wait3A_50 = tpu.memref_squeeze %dma_wait3A_49 : memref<1x128xi32, #tpu.memory_space<vmem>> -> memref<128xi32, #tpu.memory_space<vmem>>
        %dma_wait3A_51 = arith.constant 0 : i32
        %dma_wait3A_52 = arith.constant 0 : i32
        %dma_wait3A_53 = tpu.memref_slice %arg10[%dma_wait3A_51, %dma_wait3A_52] : memref<10240x128xf32, #tpu.memory_space<vmem_shared>> -> memref<10240x128xf32, #tpu.memory_space<vmem_shared>>
        tpu.wait_indirect_dma semaphore(%run_scoped3A : memref<!tpu.dma_semaphore, #tpu.memory_space<semaphore_mem>>) src(%arg8 : memref<128x128xf32, #tpu.memory_space<vmem>>) dst(%dma_wait3A_53 : memref<10240x128xf32, #tpu.memory_space<vmem_shared>>)
        tpu.yield
      }) : () -> ()
      %scan3A_41 = arith.constant 0 : i32
      scf.yield %scan3A_41 : i32
    }
    %scan3A_27 = arith.constant 80 : i32
    %barrier3A_28 = arith.constant 0 : index
    tpu.barrier barrier_id(%barrier3A_28)
    "tpu.region"() ({
      %run_scoped3A = tpu.sem_alloc : memref<!tpu.dma_semaphore, #tpu.memory_space<semaphore_mem>>
      %dma_start3A = arith.constant 0 : i32
      %dma_start3A_29 = tpu.memref_slice %arg5[%arg0, %mul3A_13, %dma_start3A] : memref<2x10240x128xf32, #tpu.memory_space<hbm>> -> memref<1x640x128xf32, #tpu.memory_space<hbm>>
      %dma_start3A_30 = tpu.memref_squeeze %dma_start3A_29 : memref<1x640x128xf32, #tpu.memory_space<hbm>> -> memref<640x128xf32, #tpu.memory_space<hbm>>
      %dma_start3A_31 = arith.constant 0 : i32
      %dma_start3A_32 = tpu.memref_slice %arg10[%mul3A_13, %dma_start3A_31] : memref<10240x128xf32, #tpu.memory_space<vmem_shared>> -> memref<640x128xf32, #tpu.memory_space<vmem_shared>>
      tpu.enqueue_dma source(%dma_start3A_32 : memref<640x128xf32, #tpu.memory_space<vmem_shared>>) target(%dma_start3A_30 : memref<640x128xf32, #tpu.memory_space<hbm>>) target_semaphore(%run_scoped3A : memref<!tpu.dma_semaphore, #tpu.memory_space<semaphore_mem>>)
      %dma_wait3A = arith.constant 0 : i32
      %dma_wait3A_33 = tpu.memref_slice %arg5[%arg0, %mul3A_13, %dma_wait3A] : memref<2x10240x128xf32, #tpu.memory_space<hbm>> -> memref<1x640x128xf32, #tpu.memory_space<hbm>>
      %dma_wait3A_34 = tpu.memref_squeeze %dma_wait3A_33 : memref<1x640x128xf32, #tpu.memory_space<hbm>> -> memref<640x128xf32, #tpu.memory_space<hbm>>
      %dma_wait3A_35 = arith.constant 0 : i32
      %dma_wait3A_36 = tpu.memref_slice %arg10[%mul3A_13, %dma_wait3A_35] : memref<10240x128xf32, #tpu.memory_space<vmem_shared>> -> memref<640x128xf32, #tpu.memory_space<vmem_shared>>
      tpu.wait_dma2 semaphore(%run_scoped3A : memref<!tpu.dma_semaphore, #tpu.memory_space<semaphore_mem>>) src(%dma_wait3A_36 : memref<640x128xf32, #tpu.memory_space<vmem_shared>>) dst(%dma_wait3A_34 : memref<640x128xf32, #tpu.memory_space<hbm>>)
      tpu.yield
    }) : () -> ()
    return
  }
}

#map = affine_map<(d0, d1) -> (0, 0)>
#map1 = affine_map<(d0, d1) -> (0, 0, 0)>
module attributes {stable_mosaic.version = 14 : i64} {
  func.func @body(%arg0: i32, %arg1: i32, %arg2: memref<2560x128xi32, #tpu.memory_space<hbm>>, %arg3: memref<128x128xf32, #tpu.memory_space<hbm>>, %arg4: memref<128x128xf32, #tpu.memory_space<hbm>>, %arg5: memref<2x10240x128xf32, #tpu.memory_space<hbm>>, %arg6: memref<80x128xi32, #tpu.memory_space<vmem>>, %arg7: memref<128x128xf32, #tpu.memory_space<vmem>>, %arg8: memref<128x128xf32, #tpu.memory_space<vmem>>, %arg9: memref<10240x128xf32, #tpu.memory_space<vmem_shared>>) attributes {dimension_semantics = [#tpu.dimension_semantics<core_parallel>, #tpu.dimension_semantics<subcore_parallel>], iteration_bounds = array<i64: 2, 16>, scalar_prefetch = 0 : i64, scratch_operands = 4 : i64, tpu.core_type = #tpu.core_type<sc_vector_subcore>, window_params = [{transform_indices = #map}, {transform_indices = #map}, {transform_indices = #map}, {transform_indices = #map1}]} {
    %mul3A = arith.constant 16 : i32
    %mul3A_0 = arith.muli %arg0, %mul3A : i32
    %add3A = arith.addi %mul3A_0, %arg1 : i32
    %mul3A_1 = arith.constant 80 : i32
    %mul3A_2 = arith.muli %add3A, %mul3A_1 : i32
    "tpu.region"() ({
      %run_scoped3A = tpu.sem_alloc : memref<!tpu.dma_semaphore, #tpu.memory_space<semaphore_mem>>
      %dma_start3A = arith.constant 0 : i32
      %dma_start3A_19 = tpu.memref_slice %arg2[%mul3A_2, %dma_start3A] : memref<2560x128xi32, #tpu.memory_space<hbm>> -> memref<80x128xi32, #tpu.memory_space<hbm>>
      %dma_start3A_20 = arith.constant 0 : i32
      %dma_start3A_21 = tpu.memref_slice %arg2[%mul3A_2, %dma_start3A_20] : memref<2560x128xi32, #tpu.memory_space<hbm>> -> memref<80x128xi32, #tpu.memory_space<hbm>>
      tpu.enqueue_dma source(%dma_start3A_21 : memref<80x128xi32, #tpu.memory_space<hbm>>) target(%arg6 : memref<80x128xi32, #tpu.memory_space<vmem>>) target_semaphore(%run_scoped3A : memref<!tpu.dma_semaphore, #tpu.memory_space<semaphore_mem>>)
      %dma_wait3A = arith.constant 0 : i32
      %dma_wait3A_22 = tpu.memref_slice %arg2[%mul3A_2, %dma_wait3A] : memref<2560x128xi32, #tpu.memory_space<hbm>> -> memref<80x128xi32, #tpu.memory_space<hbm>>
      %dma_wait3A_23 = arith.constant 0 : i32
      %dma_wait3A_24 = tpu.memref_slice %arg2[%mul3A_2, %dma_wait3A_23] : memref<2560x128xi32, #tpu.memory_space<hbm>> -> memref<80x128xi32, #tpu.memory_space<hbm>>
      tpu.wait_dma2 semaphore(%run_scoped3A : memref<!tpu.dma_semaphore, #tpu.memory_space<semaphore_mem>>) src(%dma_wait3A_24 : memref<80x128xi32, #tpu.memory_space<hbm>>) dst(%arg6 : memref<80x128xi32, #tpu.memory_space<vmem>>)
      tpu.yield
    }) : () -> ()
    "tpu.region"() ({
      %run_scoped3A = tpu.sem_alloc : memref<!tpu.dma_semaphore, #tpu.memory_space<semaphore_mem>>
      tpu.enqueue_dma source(%arg3 : memref<128x128xf32, #tpu.memory_space<hbm>>) target(%arg7 : memref<128x128xf32, #tpu.memory_space<vmem>>) target_semaphore(%run_scoped3A : memref<!tpu.dma_semaphore, #tpu.memory_space<semaphore_mem>>)
      tpu.wait_dma2 semaphore(%run_scoped3A : memref<!tpu.dma_semaphore, #tpu.memory_space<semaphore_mem>>) src(%arg3 : memref<128x128xf32, #tpu.memory_space<hbm>>) dst(%arg7 : memref<128x128xf32, #tpu.memory_space<vmem>>)
      tpu.yield
    }) : () -> ()
    "tpu.region"() ({
      %run_scoped3A = tpu.sem_alloc : memref<!tpu.dma_semaphore, #tpu.memory_space<semaphore_mem>>
      tpu.enqueue_dma source(%arg4 : memref<128x128xf32, #tpu.memory_space<hbm>>) target(%arg8 : memref<128x128xf32, #tpu.memory_space<vmem>>) target_semaphore(%run_scoped3A : memref<!tpu.dma_semaphore, #tpu.memory_space<semaphore_mem>>)
      tpu.wait_dma2 semaphore(%run_scoped3A : memref<!tpu.dma_semaphore, #tpu.memory_space<semaphore_mem>>) src(%arg4 : memref<128x128xf32, #tpu.memory_space<hbm>>) dst(%arg8 : memref<128x128xf32, #tpu.memory_space<vmem>>)
      tpu.yield
    }) : () -> ()
    %mul3A_3 = arith.constant 640 : i32
    %mul3A_4 = arith.muli %arg1, %mul3A_3 : i32
    %scan3A = arith.constant 0 : i32
    %scan3A_5 = arith.constant 0 : i32
    %scan3A_6 = arith.constant 5 : i32
    %scan3A_7 = arith.addi %scan3A_5, %scan3A_6 : i32
    %scan3A_8 = arith.constant 1 : i32
    %scan3A_9 = scf.for %scan3A_19 = %scan3A_5 to %scan3A_7 step %scan3A_8 iter_args(%scan3A_20 = %scan3A) -> (i32)  : i32 {
      %mul3A_21 = arith.constant 128 : i32
      %mul3A_22 = arith.muli %scan3A_19, %mul3A_21 : i32
      %add3A_23 = arith.addi %mul3A_4, %mul3A_22 : i32
      "tpu.region"() ({
        %run_scoped3A = tpu.sem_alloc : memref<!tpu.dma_semaphore, #tpu.memory_space<semaphore_mem>>
        %dma_start3A = arith.constant 0 : i32
        %dma_start3A_25 = tpu.memref_slice %arg9[%add3A_23, %dma_start3A] : memref<10240x128xf32, #tpu.memory_space<vmem_shared>> -> memref<128x128xf32, #tpu.memory_space<vmem_shared>>
        %dma_start3A_26 = arith.constant 0 : i32
        %dma_start3A_27 = tpu.memref_slice %arg9[%add3A_23, %dma_start3A_26] : memref<10240x128xf32, #tpu.memory_space<vmem_shared>> -> memref<128x128xf32, #tpu.memory_space<vmem_shared>>
        tpu.enqueue_dma source(%arg8 : memref<128x128xf32, #tpu.memory_space<vmem>>) target(%dma_start3A_27 : memref<128x128xf32, #tpu.memory_space<vmem_shared>>) target_semaphore(%run_scoped3A : memref<!tpu.dma_semaphore, #tpu.memory_space<semaphore_mem>>)
        %dma_wait3A = arith.constant 0 : i32
        %dma_wait3A_28 = tpu.memref_slice %arg9[%add3A_23, %dma_wait3A] : memref<10240x128xf32, #tpu.memory_space<vmem_shared>> -> memref<128x128xf32, #tpu.memory_space<vmem_shared>>
        %dma_wait3A_29 = arith.constant 0 : i32
        %dma_wait3A_30 = tpu.memref_slice %arg9[%add3A_23, %dma_wait3A_29] : memref<10240x128xf32, #tpu.memory_space<vmem_shared>> -> memref<128x128xf32, #tpu.memory_space<vmem_shared>>
        tpu.wait_dma2 semaphore(%run_scoped3A : memref<!tpu.dma_semaphore, #tpu.memory_space<semaphore_mem>>) src(%arg8 : memref<128x128xf32, #tpu.memory_space<vmem>>) dst(%dma_wait3A_30 : memref<128x128xf32, #tpu.memory_space<vmem_shared>>)
        tpu.yield
      }) : () -> ()
      %scan3A_24 = arith.constant 0 : i32
      scf.yield %scan3A_24 : i32
    }
    %scan3A_10 = arith.constant 5 : i32
    %barrier3A = arith.constant 0 : index
    tpu.barrier barrier_id(%barrier3A)
    %scan3A_11 = arith.constant 0 : i32
    %scan3A_12 = arith.constant 0 : i32
    %scan3A_13 = arith.constant 80 : i32
    %scan3A_14 = arith.addi %scan3A_12, %scan3A_13 : i32
    %scan3A_15 = arith.constant 1 : i32
    %scan3A_16 = scf.for %scan3A_19 = %scan3A_12 to %scan3A_14 step %scan3A_15 iter_args(%scan3A_20 = %scan3A_11) -> (i32)  : i32 {
      "tpu.region"() ({
        %run_scoped3A = tpu.sem_alloc : memref<!tpu.dma_semaphore, #tpu.memory_space<semaphore_mem>>
        %dma_start3A = arith.constant 0 : i32
        %dma_start3A_22 = tpu.memref_slice %arg6[%scan3A_19, %dma_start3A] : memref<80x128xi32, #tpu.memory_space<vmem>> -> memref<1x128xi32, #tpu.memory_space<vmem>>
        %dma_start3A_23 = tpu.memref_squeeze %dma_start3A_22 : memref<1x128xi32, #tpu.memory_space<vmem>> -> memref<128xi32, #tpu.memory_space<vmem>>
        %dma_start3A_24 = arith.constant 0 : i32
        %dma_start3A_25 = arith.constant 0 : i32
        %dma_start3A_26 = tpu.memref_slice %arg9[%dma_start3A_24, %dma_start3A_25] : memref<10240x128xf32, #tpu.memory_space<vmem_shared>> -> memref<10240x128xf32, #tpu.memory_space<vmem_shared>>
        tpu.enqueue_indirect_dma source(%arg7 : memref<128x128xf32, #tpu.memory_space<vmem>>) target(%dma_start3A_26 : memref<10240x128xf32, #tpu.memory_space<vmem_shared>>) offsets(%dma_start3A_23 : memref<128xi32, #tpu.memory_space<vmem>>) semaphore(%run_scoped3A : memref<!tpu.dma_semaphore, #tpu.memory_space<semaphore_mem>>) {add = true}
        %dma_wait3A = arith.constant 0 : i32
        %dma_wait3A_27 = tpu.memref_slice %arg6[%scan3A_19, %dma_wait3A] : memref<80x128xi32, #tpu.memory_space<vmem>> -> memref<1x128xi32, #tpu.memory_space<vmem>>
        %dma_wait3A_28 = tpu.memref_squeeze %dma_wait3A_27 : memref<1x128xi32, #tpu.memory_space<vmem>> -> memref<128xi32, #tpu.memory_space<vmem>>
        %dma_wait3A_29 = arith.constant 0 : i32
        %dma_wait3A_30 = arith.constant 0 : i32
        %dma_wait3A_31 = tpu.memref_slice %arg9[%dma_wait3A_29, %dma_wait3A_30] : memref<10240x128xf32, #tpu.memory_space<vmem_shared>> -> memref<10240x128xf32, #tpu.memory_space<vmem_shared>>
        tpu.wait_indirect_dma semaphore(%run_scoped3A : memref<!tpu.dma_semaphore, #tpu.memory_space<semaphore_mem>>) src(%arg7 : memref<128x128xf32, #tpu.memory_space<vmem>>) dst(%dma_wait3A_31 : memref<10240x128xf32, #tpu.memory_space<vmem_shared>>)
        tpu.yield
      }) : () -> ()
      %scan3A_21 = arith.constant 0 : i32
      scf.yield %scan3A_21 : i32
    }
    %scan3A_17 = arith.constant 80 : i32
    %barrier3A_18 = arith.constant 0 : index
    tpu.barrier barrier_id(%barrier3A_18)
    "tpu.region"() ({
      %run_scoped3A = tpu.sem_alloc : memref<!tpu.dma_semaphore, #tpu.memory_space<semaphore_mem>>
      %dma_start3A = arith.constant 0 : i32
      %dma_start3A_19 = tpu.memref_slice %arg5[%arg0, %mul3A_4, %dma_start3A] : memref<2x10240x128xf32, #tpu.memory_space<hbm>> -> memref<1x640x128xf32, #tpu.memory_space<hbm>>
      %dma_start3A_20 = tpu.memref_squeeze %dma_start3A_19 : memref<1x640x128xf32, #tpu.memory_space<hbm>> -> memref<640x128xf32, #tpu.memory_space<hbm>>
      %dma_start3A_21 = arith.constant 0 : i32
      %dma_start3A_22 = tpu.memref_slice %arg9[%mul3A_4, %dma_start3A_21] : memref<10240x128xf32, #tpu.memory_space<vmem_shared>> -> memref<640x128xf32, #tpu.memory_space<vmem_shared>>
      tpu.enqueue_dma source(%dma_start3A_22 : memref<640x128xf32, #tpu.memory_space<vmem_shared>>) target(%dma_start3A_20 : memref<640x128xf32, #tpu.memory_space<hbm>>) target_semaphore(%run_scoped3A : memref<!tpu.dma_semaphore, #tpu.memory_space<semaphore_mem>>)
      %dma_wait3A = arith.constant 0 : i32
      %dma_wait3A_23 = tpu.memref_slice %arg5[%arg0, %mul3A_4, %dma_wait3A] : memref<2x10240x128xf32, #tpu.memory_space<hbm>> -> memref<1x640x128xf32, #tpu.memory_space<hbm>>
      %dma_wait3A_24 = tpu.memref_squeeze %dma_wait3A_23 : memref<1x640x128xf32, #tpu.memory_space<hbm>> -> memref<640x128xf32, #tpu.memory_space<hbm>>
      %dma_wait3A_25 = arith.constant 0 : i32
      %dma_wait3A_26 = tpu.memref_slice %arg9[%mul3A_4, %dma_wait3A_25] : memref<10240x128xf32, #tpu.memory_space<vmem_shared>> -> memref<640x128xf32, #tpu.memory_space<vmem_shared>>
      tpu.wait_dma2 semaphore(%run_scoped3A : memref<!tpu.dma_semaphore, #tpu.memory_space<semaphore_mem>>) src(%dma_wait3A_26 : memref<640x128xf32, #tpu.memory_space<vmem_shared>>) dst(%dma_wait3A_24 : memref<640x128xf32, #tpu.memory_space<hbm>>)
      tpu.yield
    }) : () -> ()
    return
  }
}

#map = affine_map<(d0, d1) -> (0, 0)>
#map1 = affine_map<(d0, d1) -> (0, 0, 0)>
module attributes {stable_mosaic.version = 14 : i64} {
  func.func @body(%arg0: i32, %arg1: i32, %arg2: memref<2560x128xi32, #tpu.memory_space<hbm>>, %arg3: memref<128x128xf32, #tpu.memory_space<hbm>>, %arg4: memref<128x128xf32, #tpu.memory_space<hbm>>, %arg5: memref<2x10240x128xf32, #tpu.memory_space<hbm>>, %arg6: memref<80x128xi32, #tpu.memory_space<vmem>>, %arg7: memref<128x128xf32, #tpu.memory_space<vmem>>, %arg8: memref<128x128xf32, #tpu.memory_space<vmem>>, %arg9: memref<10240x128xf32, #tpu.memory_space<vmem_shared>>) attributes {dimension_semantics = [#tpu.dimension_semantics<core_parallel>, #tpu.dimension_semantics<subcore_parallel>], iteration_bounds = array<i64: 2, 16>, scalar_prefetch = 0 : i64, scratch_operands = 4 : i64, tpu.core_type = #tpu.core_type<sc_vector_subcore>, window_params = [{transform_indices = #map}, {transform_indices = #map}, {transform_indices = #map}, {transform_indices = #map1}]} {
    %mul3A = arith.constant 16 : i32
    %mul3A_0 = arith.muli %arg0, %mul3A : i32
    %add3A = arith.addi %mul3A_0, %arg1 : i32
    %mul3A_1 = arith.constant 80 : i32
    %mul3A_2 = arith.muli %add3A, %mul3A_1 : i32
    "tpu.region"() ({
      %run_scoped3A = tpu.sem_alloc : memref<!tpu.dma_semaphore, #tpu.memory_space<semaphore_mem>>
      %dma_start3A = arith.constant 0 : i32
      %dma_start3A_19 = tpu.memref_slice %arg2[%mul3A_2, %dma_start3A] : memref<2560x128xi32, #tpu.memory_space<hbm>> -> memref<80x128xi32, #tpu.memory_space<hbm>>
      %dma_start3A_20 = arith.constant 0 : i32
      %dma_start3A_21 = tpu.memref_slice %arg2[%mul3A_2, %dma_start3A_20] : memref<2560x128xi32, #tpu.memory_space<hbm>> -> memref<80x128xi32, #tpu.memory_space<hbm>>
      tpu.enqueue_dma source(%dma_start3A_21 : memref<80x128xi32, #tpu.memory_space<hbm>>) target(%arg6 : memref<80x128xi32, #tpu.memory_space<vmem>>) target_semaphore(%run_scoped3A : memref<!tpu.dma_semaphore, #tpu.memory_space<semaphore_mem>>)
      %dma_wait3A = arith.constant 0 : i32
      %dma_wait3A_22 = tpu.memref_slice %arg2[%mul3A_2, %dma_wait3A] : memref<2560x128xi32, #tpu.memory_space<hbm>> -> memref<80x128xi32, #tpu.memory_space<hbm>>
      %dma_wait3A_23 = arith.constant 0 : i32
      %dma_wait3A_24 = tpu.memref_slice %arg2[%mul3A_2, %dma_wait3A_23] : memref<2560x128xi32, #tpu.memory_space<hbm>> -> memref<80x128xi32, #tpu.memory_space<hbm>>
      tpu.wait_dma2 semaphore(%run_scoped3A : memref<!tpu.dma_semaphore, #tpu.memory_space<semaphore_mem>>) src(%dma_wait3A_24 : memref<80x128xi32, #tpu.memory_space<hbm>>) dst(%arg6 : memref<80x128xi32, #tpu.memory_space<vmem>>)
      tpu.yield
    }) : () -> ()
    "tpu.region"() ({
      %run_scoped3A = tpu.sem_alloc : memref<!tpu.dma_semaphore, #tpu.memory_space<semaphore_mem>>
      tpu.enqueue_dma source(%arg3 : memref<128x128xf32, #tpu.memory_space<hbm>>) target(%arg7 : memref<128x128xf32, #tpu.memory_space<vmem>>) target_semaphore(%run_scoped3A : memref<!tpu.dma_semaphore, #tpu.memory_space<semaphore_mem>>)
      tpu.wait_dma2 semaphore(%run_scoped3A : memref<!tpu.dma_semaphore, #tpu.memory_space<semaphore_mem>>) src(%arg3 : memref<128x128xf32, #tpu.memory_space<hbm>>) dst(%arg7 : memref<128x128xf32, #tpu.memory_space<vmem>>)
      tpu.yield
    }) : () -> ()
    "tpu.region"() ({
      %run_scoped3A = tpu.sem_alloc : memref<!tpu.dma_semaphore, #tpu.memory_space<semaphore_mem>>
      tpu.enqueue_dma source(%arg4 : memref<128x128xf32, #tpu.memory_space<hbm>>) target(%arg8 : memref<128x128xf32, #tpu.memory_space<vmem>>) target_semaphore(%run_scoped3A : memref<!tpu.dma_semaphore, #tpu.memory_space<semaphore_mem>>)
      tpu.wait_dma2 semaphore(%run_scoped3A : memref<!tpu.dma_semaphore, #tpu.memory_space<semaphore_mem>>) src(%arg4 : memref<128x128xf32, #tpu.memory_space<hbm>>) dst(%arg8 : memref<128x128xf32, #tpu.memory_space<vmem>>)
      tpu.yield
    }) : () -> ()
    %mul3A_3 = arith.constant 640 : i32
    %mul3A_4 = arith.muli %arg1, %mul3A_3 : i32
    %scan3A = arith.constant 0 : i32
    %scan3A_5 = arith.constant 0 : i32
    %scan3A_6 = arith.constant 5 : i32
    %scan3A_7 = arith.addi %scan3A_5, %scan3A_6 : i32
    %scan3A_8 = arith.constant 1 : i32
    %scan3A_9 = scf.for %scan3A_19 = %scan3A_5 to %scan3A_7 step %scan3A_8 iter_args(%scan3A_20 = %scan3A) -> (i32)  : i32 {
      %mul3A_21 = arith.constant 128 : i32
      %mul3A_22 = arith.muli %scan3A_19, %mul3A_21 : i32
      %add3A_23 = arith.addi %mul3A_4, %mul3A_22 : i32
      "tpu.region"() ({
        %run_scoped3A = tpu.sem_alloc : memref<!tpu.dma_semaphore, #tpu.memory_space<semaphore_mem>>
        %dma_start3A = arith.constant 0 : i32
        %dma_start3A_25 = tpu.memref_slice %arg9[%add3A_23, %dma_start3A] : memref<10240x128xf32, #tpu.memory_space<vmem_shared>> -> memref<128x128xf32, #tpu.memory_space<vmem_shared>>
        %dma_start3A_26 = arith.constant 0 : i32
        %dma_start3A_27 = tpu.memref_slice %arg9[%add3A_23, %dma_start3A_26] : memref<10240x128xf32, #tpu.memory_space<vmem_shared>> -> memref<128x128xf32, #tpu.memory_space<vmem_shared>>
        tpu.enqueue_dma source(%arg8 : memref<128x128xf32, #tpu.memory_space<vmem>>) target(%dma_start3A_27 : memref<128x128xf32, #tpu.memory_space<vmem_shared>>) target_semaphore(%run_scoped3A : memref<!tpu.dma_semaphore, #tpu.memory_space<semaphore_mem>>)
        %dma_wait3A = arith.constant 0 : i32
        %dma_wait3A_28 = tpu.memref_slice %arg9[%add3A_23, %dma_wait3A] : memref<10240x128xf32, #tpu.memory_space<vmem_shared>> -> memref<128x128xf32, #tpu.memory_space<vmem_shared>>
        %dma_wait3A_29 = arith.constant 0 : i32
        %dma_wait3A_30 = tpu.memref_slice %arg9[%add3A_23, %dma_wait3A_29] : memref<10240x128xf32, #tpu.memory_space<vmem_shared>> -> memref<128x128xf32, #tpu.memory_space<vmem_shared>>
        tpu.wait_dma2 semaphore(%run_scoped3A : memref<!tpu.dma_semaphore, #tpu.memory_space<semaphore_mem>>) src(%arg8 : memref<128x128xf32, #tpu.memory_space<vmem>>) dst(%dma_wait3A_30 : memref<128x128xf32, #tpu.memory_space<vmem_shared>>)
        tpu.yield
      }) : () -> ()
      %scan3A_24 = arith.constant 0 : i32
      scf.yield %scan3A_24 : i32
    }
    %scan3A_10 = arith.constant 5 : i32
    %barrier3A = arith.constant 0 : index
    tpu.barrier barrier_id(%barrier3A)
    %scan3A_11 = arith.constant 0 : i32
    %scan3A_12 = arith.constant 0 : i32
    %scan3A_13 = arith.constant 80 : i32
    %scan3A_14 = arith.addi %scan3A_12, %scan3A_13 : i32
    %scan3A_15 = arith.constant 1 : i32
    %scan3A_16 = scf.for %scan3A_19 = %scan3A_12 to %scan3A_14 step %scan3A_15 iter_args(%scan3A_20 = %scan3A_11) -> (i32)  : i32 {
      "tpu.region"() ({
        %run_scoped3A = tpu.sem_alloc : memref<!tpu.dma_semaphore, #tpu.memory_space<semaphore_mem>>
        %dma_start3A = arith.constant 0 : i32
        %dma_start3A_22 = tpu.memref_slice %arg6[%scan3A_19, %dma_start3A] : memref<80x128xi32, #tpu.memory_space<vmem>> -> memref<1x128xi32, #tpu.memory_space<vmem>>
        %dma_start3A_23 = tpu.memref_squeeze %dma_start3A_22 : memref<1x128xi32, #tpu.memory_space<vmem>> -> memref<128xi32, #tpu.memory_space<vmem>>
        %dma_start3A_24 = arith.constant 0 : i32
        %dma_start3A_25 = arith.constant 0 : i32
        %dma_start3A_26 = tpu.memref_slice %arg9[%dma_start3A_24, %dma_start3A_25] : memref<10240x128xf32, #tpu.memory_space<vmem_shared>> -> memref<10240x128xf32, #tpu.memory_space<vmem_shared>>
        tpu.enqueue_indirect_dma source(%arg7 : memref<128x128xf32, #tpu.memory_space<vmem>>) target(%dma_start3A_26 : memref<10240x128xf32, #tpu.memory_space<vmem_shared>>) offsets(%dma_start3A_23 : memref<128xi32, #tpu.memory_space<vmem>>) semaphore(%run_scoped3A : memref<!tpu.dma_semaphore, #tpu.memory_space<semaphore_mem>>) {add = true}
        %dma_wait3A = arith.constant 0 : i32
        %dma_wait3A_27 = tpu.memref_slice %arg6[%scan3A_19, %dma_wait3A] : memref<80x128xi32, #tpu.memory_space<vmem>> -> memref<1x128xi32, #tpu.memory_space<vmem>>
        %dma_wait3A_28 = tpu.memref_squeeze %dma_wait3A_27 : memref<1x128xi32, #tpu.memory_space<vmem>> -> memref<128xi32, #tpu.memory_space<vmem>>
        %dma_wait3A_29 = arith.constant 0 : i32
        %dma_wait3A_30 = arith.constant 0 : i32
        %dma_wait3A_31 = tpu.memref_slice %arg9[%dma_wait3A_29, %dma_wait3A_30] : memref<10240x128xf32, #tpu.memory_space<vmem_shared>> -> memref<10240x128xf32, #tpu.memory_space<vmem_shared>>
        tpu.wait_indirect_dma semaphore(%run_scoped3A : memref<!tpu.dma_semaphore, #tpu.memory_space<semaphore_mem>>) src(%arg7 : memref<128x128xf32, #tpu.memory_space<vmem>>) dst(%dma_wait3A_31 : memref<10240x128xf32, #tpu.memory_space<vmem_shared>>)
        tpu.yield
      }) : () -> ()
      %scan3A_21 = arith.constant 0 : i32
      scf.yield %scan3A_21 : i32
    }
    %scan3A_17 = arith.constant 80 : i32
    %barrier3A_18 = arith.constant 0 : index
    tpu.barrier barrier_id(%barrier3A_18)
    "tpu.region"() ({
      %run_scoped3A = tpu.sem_alloc : memref<!tpu.dma_semaphore, #tpu.memory_space<semaphore_mem>>
      %dma_start3A = arith.constant 0 : i32
      %dma_start3A_19 = tpu.memref_slice %arg5[%arg0, %mul3A_4, %dma_start3A] : memref<2x10240x128xf32, #tpu.memory_space<hbm>> -> memref<1x640x128xf32, #tpu.memory_space<hbm>>
      %dma_start3A_20 = tpu.memref_squeeze %dma_start3A_19 : memref<1x640x128xf32, #tpu.memory_space<hbm>> -> memref<640x128xf32, #tpu.memory_space<hbm>>
      %dma_start3A_21 = arith.constant 0 : i32
      %dma_start3A_22 = tpu.memref_slice %arg9[%mul3A_4, %dma_start3A_21] : memref<10240x128xf32, #tpu.memory_space<vmem_shared>> -> memref<640x128xf32, #tpu.memory_space<vmem_shared>>
      tpu.enqueue_dma source(%dma_start3A_22 : memref<640x128xf32, #tpu.memory_space<vmem_shared>>) target(%dma_start3A_20 : memref<640x128xf32, #tpu.memory_space<hbm>>) target_semaphore(%run_scoped3A : memref<!tpu.dma_semaphore, #tpu.memory_space<semaphore_mem>>)
      %dma_wait3A = arith.constant 0 : i32
      %dma_wait3A_23 = tpu.memref_slice %arg5[%arg0, %mul3A_4, %dma_wait3A] : memref<2x10240x128xf32, #tpu.memory_space<hbm>> -> memref<1x640x128xf32, #tpu.memory_space<hbm>>
      %dma_wait3A_24 = tpu.memref_squeeze %dma_wait3A_23 : memref<1x640x128xf32, #tpu.memory_space<hbm>> -> memref<640x128xf32, #tpu.memory_space<hbm>>
      %dma_wait3A_25 = arith.constant 0 : i32
      %dma_wait3A_26 = tpu.memref_slice %arg9[%mul3A_4, %dma_wait3A_25] : memref<10240x128xf32, #tpu.memory_space<vmem_shared>> -> memref<640x128xf32, #tpu.memory_space<vmem_shared>>
      tpu.wait_dma2 semaphore(%run_scoped3A : memref<!tpu.dma_semaphore, #tpu.memory_space<semaphore_mem>>) src(%dma_wait3A_26 : memref<640x128xf32, #tpu.memory_space<vmem_shared>>) dst(%dma_wait3A_24 : memref<640x128xf32, #tpu.memory_space<hbm>>)
      tpu.yield
    }) : () -> ()
    return
  }
}

module attributes {stable_mosaic.version = 14 : i64} {
  func.func @mmk(%arg0: i32, %arg1: memref<2000x128xf32, #tpu.memory_space<vmem>>, %arg2: memref<128x128xf32, #tpu.memory_space<vmem>>, %arg3: memref<2000x128xf32, #tpu.memory_space<vmem>>) attributes {dimension_semantics = [#tpu.dimension_semantics<arbitrary>], iteration_bounds = array<i64: 5>, scalar_prefetch = 0 : i64, scratch_operands = 0 : i64, tpu.core_type = #tpu.core_type<tc>, window_params = [{transform_indices = @transform_0, window_bounds = array<i64: 2000, 128>}, {pipeline_mode = #tpu.pipeline_mode<synchronous>, transform_indices = @transform_1, window_bounds = array<i64: 128, 128>}, {transform_indices = @transform_2, window_bounds = array<i64: 2000, 128>}]} {
    %get3A = arith.constant 0 : index
    %get3A_0 = arith.constant 0 : index
    %get3A_1 = vector.load %arg1[%get3A, %get3A_0] : memref<2000x128xf32, #tpu.memory_space<vmem>>, vector<2000x128xf32>
    %get3A_2 = arith.constant 0 : index
    %get3A_3 = arith.constant 0 : index
    %get3A_4 = vector.load %arg2[%get3A_2, %get3A_3] : memref<128x128xf32, #tpu.memory_space<vmem>>, vector<128x128xf32>
    %dot_general3A = arith.constant dense<0.000000e+00> : vector<2000x128xf32>
    %dot_general3A_5 = tpu.matmul %get3A_1, %get3A_4, %dot_general3A {dimension_numbers = #tpu.dot_dimension_numbers<[1], [1], [0], [0], [0, 0, 1, 0], [], []>, transpose_lhs_hint = false} : vector<2000x128xf32>, vector<128x128xf32>, vector<2000x128xf32> -> vector<2000x128xf32>
    %swap3A = arith.constant 0 : index
    %swap3A_6 = arith.constant 0 : index
    %swap3A_7 = vector.load %arg3[%swap3A, %swap3A_6] : memref<2000x128xf32, #tpu.memory_space<vmem>>, vector<2000x128xf32>
    tpu.vector_store %arg3[%swap3A, %swap3A_6], %dot_general3A_5 {strides = array<i32>} : memref<2000x128xf32, #tpu.memory_space<vmem>>, vector<2000x128xf32>,
    return
  }
  func.func @transform_0(%arg0: i32) -> (i32, i32) {
    %c0_i32 = arith.constant 0 : i32
    %c0_i32_0 = arith.constant 0 : i32
    return %arg0, %c0_i32 : i32, i32
  }
  func.func @transform_1(%arg0: i32) -> (i32, i32) {
    %c0_i32 = arith.constant 0 : i32
    %c0_i32_0 = arith.constant 0 : i32
    %c0_i32_1 = arith.constant 0 : i32
    return %c0_i32, %c0_i32_0 : i32, i32
  }
  func.func @transform_2(%arg0: i32) -> (i32, i32) {
    %c0_i32 = arith.constant 0 : i32
    %c0_i32_0 = arith.constant 0 : i32
    return %arg0, %c0_i32 : i32, i32
  }
}

module attributes {stable_mosaic.version = 14 : i64} {
  func.func @ck(%arg0: i32, %arg1: memref<2x2048x128xf32, #tpu.memory_space<vmem>>, %arg2: memref<2x2048x128xf32, #tpu.memory_space<vmem>>, %arg3: memref<2048x128xf32, #tpu.memory_space<vmem>>) attributes {dimension_semantics = [#tpu.dimension_semantics<arbitrary>], iteration_bounds = array<i64: 5>, scalar_prefetch = 0 : i64, scratch_operands = 0 : i64, tpu.core_type = #tpu.core_type<tc>, window_params = [{transform_indices = @transform_0, window_bounds = array<i64: 2, 2048, 128>}, {transform_indices = @transform_1, window_bounds = array<i64: 2, 2048, 128>}, {transform_indices = @transform_2, window_bounds = array<i64: 2048, 128>}]} {
    %get3A = arith.constant 0 : index
    %get3A_0 = arith.constant 0 : index
    %get3A_1 = arith.constant 0 : index
    %get3A_2 = vector.load %arg2[%get3A, %get3A_0, %get3A_1] : memref<2x2048x128xf32, #tpu.memory_space<vmem>>, vector<1x2048x1xf32>
    %get3A_3 = vector.shape_cast %get3A_2 : vector<1x2048x1xf32> to vector<2048x1xf32>
    %get3A_4 = arith.constant 1 : index
    %get3A_5 = arith.constant 0 : index
    %get3A_6 = arith.constant 0 : index
    %get3A_7 = vector.load %arg2[%get3A_4, %get3A_5, %get3A_6] : memref<2x2048x128xf32, #tpu.memory_space<vmem>>, vector<1x2048x1xf32>
    %get3A_8 = vector.shape_cast %get3A_7 : vector<1x2048x1xf32> to vector<2048x1xf32>
    %add3A = arith.addf %get3A_3, %get3A_8 : vector<2048x1xf32>
    %gt3A = arith.constant 0.000000e+00 : f32
    %gt3A_9 = vector.broadcast %gt3A : f32 to vector<2048x1xf32>
    %gt3A_10 = arith.cmpf ogt, %add3A, %gt3A_9 : vector<2048x1xf32>
    %div3A = arith.constant 1.000000e+00 : f32
    %div3A_11 = vector.broadcast %div3A : f32 to vector<2048x1xf32>
    %div3A_12 = arith.divf %div3A_11, %add3A : vector<2048x1xf32>
    %jit3A = arith.constant 0.000000e+00 : f32
    %broadcast_in_dim3A = vector.broadcast %jit3A : f32 to vector<2048x1xf32>
    %select_n3A = arith.select %gt3A_10, %div3A_12, %broadcast_in_dim3A : vector<2048x1xi1>, vector<2048x1xf32>
    %get3A_13 = arith.constant 0 : index
    %get3A_14 = arith.constant 0 : index
    %get3A_15 = arith.constant 0 : index
    %get3A_16 = vector.load %arg1[%get3A_13, %get3A_14, %get3A_15] : memref<2x2048x128xf32, #tpu.memory_space<vmem>>, vector<1x2048x128xf32>
    %get3A_17 = vector.shape_cast %get3A_16 : vector<1x2048x128xf32> to vector<2048x128xf32>
    %get3A_18 = arith.constant 1 : index
    %get3A_19 = arith.constant 0 : index
    %get3A_20 = arith.constant 0 : index
    %get3A_21 = vector.load %arg1[%get3A_18, %get3A_19, %get3A_20] : memref<2x2048x128xf32, #tpu.memory_space<vmem>>, vector<1x2048x128xf32>
    %get3A_22 = vector.shape_cast %get3A_21 : vector<1x2048x128xf32> to vector<2048x128xf32>
    %add3A_23 = arith.addf %get3A_17, %get3A_22 : vector<2048x128xf32>
    %mul3A = vector.broadcast %select_n3A : vector<2048x1xf32> to vector<2048x128xf32>
    %mul3A_24 = arith.mulf %add3A_23, %mul3A : vector<2048x128xf32>
    %swap3A = arith.constant 0 : index
    %swap3A_25 = arith.constant 0 : index
    %swap3A_26 = vector.load %arg3[%swap3A, %swap3A_25] : memref<2048x128xf32, #tpu.memory_space<vmem>>, vector<2048x128xf32>
    tpu.vector_store %arg3[%swap3A, %swap3A_25], %mul3A_24 {strides = array<i32>} : memref<2048x128xf32, #tpu.memory_space<vmem>>, vector<2048x128xf32>,
    return
  }
  func.func @transform_0(%arg0: i32) -> (i32, i32, i32) {
    %c0_i32 = arith.constant 0 : i32
    %c0_i32_0 = arith.constant 0 : i32
    %c0_i32_1 = arith.constant 0 : i32
    return %c0_i32, %arg0, %c0_i32_0 : i32, i32, i32
  }
  func.func @transform_1(%arg0: i32) -> (i32, i32, i32) {
    %c0_i32 = arith.constant 0 : i32
    %c0_i32_0 = arith.constant 0 : i32
    %c0_i32_1 = arith.constant 0 : i32
    return %c0_i32, %arg0, %c0_i32_0 : i32, i32, i32
  }
  func.func @transform_2(%arg0: i32) -> (i32, i32) {
    %c0_i32 = arith.constant 0 : i32
    %c0_i32_0 = arith.constant 0 : i32
    return %arg0, %c0_i32 : i32, i32
  }
}

module attributes {stable_mosaic.version = 14 : i64} {
  func.func @fk(%arg0: i32, %arg1: memref<2x2000x128xf32, #tpu.memory_space<vmem>>, %arg2: memref<2x2000x128xf32, #tpu.memory_space<vmem>>, %arg3: memref<2000x128xf32, #tpu.memory_space<vmem>>, %arg4: memref<128x128xf32, #tpu.memory_space<vmem>>, %arg5: memref<1x128xf32, #tpu.memory_space<vmem>>, %arg6: memref<2000x128xf32, #tpu.memory_space<vmem>>) attributes {dimension_semantics = [#tpu.dimension_semantics<arbitrary>], iteration_bounds = array<i64: 5>, scalar_prefetch = 0 : i64, scratch_operands = 0 : i64, tpu.core_type = #tpu.core_type<tc>, window_params = [{transform_indices = @transform_0, window_bounds = array<i64: 2, 2000, 128>}, {transform_indices = @transform_1, window_bounds = array<i64: 2, 2000, 128>}, {transform_indices = @transform_2, window_bounds = array<i64: 2000, 128>}, {pipeline_mode = #tpu.pipeline_mode<synchronous>, transform_indices = @transform_3, window_bounds = array<i64: 128, 128>}, {pipeline_mode = #tpu.pipeline_mode<synchronous>, transform_indices = @transform_4, window_bounds = array<i64: 1, 128>}, {transform_indices = @transform_5, window_bounds = array<i64: 2000, 128>}]} {
    %get3A = arith.constant 0 : index
    %get3A_0 = arith.constant 0 : index
    %get3A_1 = arith.constant 0 : index
    %get3A_2 = vector.load %arg2[%get3A, %get3A_0, %get3A_1] : memref<2x2000x128xf32, #tpu.memory_space<vmem>>, vector<1x2000x1xf32>
    %get3A_3 = vector.shape_cast %get3A_2 : vector<1x2000x1xf32> to vector<2000x1xf32>
    %get3A_4 = arith.constant 1 : index
    %get3A_5 = arith.constant 0 : index
    %get3A_6 = arith.constant 0 : index
    %get3A_7 = vector.load %arg2[%get3A_4, %get3A_5, %get3A_6] : memref<2x2000x128xf32, #tpu.memory_space<vmem>>, vector<1x2000x1xf32>
    %get3A_8 = vector.shape_cast %get3A_7 : vector<1x2000x1xf32> to vector<2000x1xf32>
    %add3A = arith.addf %get3A_3, %get3A_8 : vector<2000x1xf32>
    %gt3A = arith.constant 0.000000e+00 : f32
    %gt3A_9 = vector.broadcast %gt3A : f32 to vector<2000x1xf32>
    %gt3A_10 = arith.cmpf ogt, %add3A, %gt3A_9 : vector<2000x1xf32>
    %div3A = arith.constant 1.000000e+00 : f32
    %div3A_11 = vector.broadcast %div3A : f32 to vector<2000x1xf32>
    %div3A_12 = arith.divf %div3A_11, %add3A : vector<2000x1xf32>
    %jit3A = arith.constant 0.000000e+00 : f32
    %broadcast_in_dim3A = vector.broadcast %jit3A : f32 to vector<2000x1xf32>
    %select_n3A = arith.select %gt3A_10, %div3A_12, %broadcast_in_dim3A : vector<2000x1xi1>, vector<2000x1xf32>
    %get3A_13 = arith.constant 0 : index
    %get3A_14 = arith.constant 0 : index
    %get3A_15 = vector.load %arg3[%get3A_13, %get3A_14] : memref<2000x128xf32, #tpu.memory_space<vmem>>, vector<2000x128xf32>
    %get3A_16 = arith.constant 0 : index
    %get3A_17 = arith.constant 0 : index
    %get3A_18 = vector.load %arg4[%get3A_16, %get3A_17] : memref<128x128xf32, #tpu.memory_space<vmem>>, vector<128x128xf32>
    %dot_general3A = arith.constant dense<0.000000e+00> : vector<2000x128xf32>
    %dot_general3A_19 = tpu.matmul %get3A_15, %get3A_18, %dot_general3A {dimension_numbers = #tpu.dot_dimension_numbers<[1], [1], [0], [0], [0, 0, 1, 0], [], []>, transpose_lhs_hint = false} : vector<2000x128xf32>, vector<128x128xf32>, vector<2000x128xf32> -> vector<2000x128xf32>
    %get3A_20 = arith.constant 0 : index
    %get3A_21 = arith.constant 0 : index
    %get3A_22 = arith.constant 0 : index
    %get3A_23 = vector.load %arg1[%get3A_20, %get3A_21, %get3A_22] : memref<2x2000x128xf32, #tpu.memory_space<vmem>>, vector<1x2000x128xf32>
    %get3A_24 = vector.shape_cast %get3A_23 : vector<1x2000x128xf32> to vector<2000x128xf32>
    %get3A_25 = arith.constant 1 : index
    %get3A_26 = arith.constant 0 : index
    %get3A_27 = arith.constant 0 : index
    %get3A_28 = vector.load %arg1[%get3A_25, %get3A_26, %get3A_27] : memref<2x2000x128xf32, #tpu.memory_space<vmem>>, vector<1x2000x128xf32>
    %get3A_29 = vector.shape_cast %get3A_28 : vector<1x2000x128xf32> to vector<2000x128xf32>
    %add3A_30 = arith.addf %get3A_24, %get3A_29 : vector<2000x128xf32>
    %mul3A = vector.broadcast %select_n3A : vector<2000x1xf32> to vector<2000x128xf32>
    %mul3A_31 = arith.mulf %add3A_30, %mul3A : vector<2000x128xf32>
    %add3A_32 = arith.addf %mul3A_31, %dot_general3A_19 : vector<2000x128xf32>
    %get3A_33 = arith.constant 0 : index
    %get3A_34 = arith.constant 0 : index
    %get3A_35 = vector.load %arg5[%get3A_33, %get3A_34] : memref<1x128xf32, #tpu.memory_space<vmem>>, vector<1x128xf32>
    %add3A_36 = vector.broadcast %get3A_35 : vector<1x128xf32> to vector<2000x128xf32>
    %add3A_37 = arith.addf %add3A_32, %add3A_36 : vector<2000x128xf32>
    %swap3A = arith.constant 0 : index
    %swap3A_38 = arith.constant 0 : index
    %swap3A_39 = vector.load %arg6[%swap3A, %swap3A_38] : memref<2000x128xf32, #tpu.memory_space<vmem>>, vector<2000x128xf32>
    tpu.vector_store %arg6[%swap3A, %swap3A_38], %add3A_37 {strides = array<i32>} : memref<2000x128xf32, #tpu.memory_space<vmem>>, vector<2000x128xf32>,
    return
  }
  func.func @transform_0(%arg0: i32) -> (i32, i32, i32) {
    %c0_i32 = arith.constant 0 : i32
    %c0_i32_0 = arith.constant 0 : i32
    %c0_i32_1 = arith.constant 0 : i32
    return %c0_i32, %arg0, %c0_i32_0 : i32, i32, i32
  }
  func.func @transform_1(%arg0: i32) -> (i32, i32, i32) {
    %c0_i32 = arith.constant 0 : i32
    %c0_i32_0 = arith.constant 0 : i32
    %c0_i32_1 = arith.constant 0 : i32
    return %c0_i32, %arg0, %c0_i32_0 : i32, i32, i32
  }
  func.func @transform_2(%arg0: i32) -> (i32, i32) {
    %c0_i32 = arith.constant 0 : i32
    %c0_i32_0 = arith.constant 0 : i32
    return %arg0, %c0_i32 : i32, i32
  }
  func.func @transform_3(%arg0: i32) -> (i32, i32) {
    %c0_i32 = arith.constant 0 : i32
    %c0_i32_0 = arith.constant 0 : i32
    %c0_i32_1 = arith.constant 0 : i32
    return %c0_i32, %c0_i32_0 : i32, i32
  }
  func.func @transform_4(%arg0: i32) -> (i32, i32) {
    %c0_i32 = arith.constant 0 : i32
    %c0_i32_0 = arith.constant 0 : i32
    %c0_i32_1 = arith.constant 0 : i32
    return %c0_i32, %c0_i32_0 : i32, i32
  }
  func.func @transform_5(%arg0: i32) -> (i32, i32) {
    %c0_i32 = arith.constant 0 : i32
    %c0_i32_0 = arith.constant 0 : i32
    return %arg0, %c0_i32 : i32, i32
  }
}

</mosaic_0001>

<sc_bundles>
// kernel: kernel.12.cloned.1.call-start
scs
__scs_entry_jumppad:
0x0: {  	(pc) =	sbr.rel $0x88, $3  }
0x1: {  	(tag) =	ssettag $0x0;
	lr =	simm.s32 $0x1  }
0x2: {  	[smem:$0x3F9B] =	sst lr;
	_ =	strace $0xD0000000  }
0x3: {  	_ = 	snop  }
0x4: {  	_ = 	snop  }
0x5: {  	_ = 	snop  }
0x6: {  	_ = 	snop  }
0x7: {  	_ = 	snop  }
__scs_overlays_trampoline_lowered:
0x8: {  	[smem:$0x3FAA] =	sst s0  }
0x9: {  	[smem:$0x3FAB] =	sst s1  }
0xa: {  	[smem:$0x3FAC] =	sst s2  }
0xb: {  	[smem:$0x3FAD] =	sst s3  }
0xc: {  	[smem:$0x3FAE] =	sst s4  }
0xd: {  	[smem:$0x3FAF] =	sst s5  }
0xe: {  	[smem:$0x3FB0] =	sst s6  }
0xf: {  	[smem:$0x3FB1] =	sst s7  }
0x10: {  	[smem:$0x3FB2] =	sst s8  }
0x11: {  	[smem:$0x3FB3] =	sst s9;
	s0 =	simm.s32 @!p0 $0x0  }
0x12: {  	s1 =	sld [smem:$0x3F99];
	s0 =	simm.s32 @p0 $0x1  }
0x13: {  	[smem:$0x3FB4] =	sst s0;
	s0 =	simm.s32 @!p1 $0x0  }
0x14: {  	s2 =	sld [smem:$0x3F98];
	s0 =	simm.s32 @p1 $0x1  }
0x15: {  	[smem:$0x3FB5] =	sst s0;
	s0 =	simm.s32 @!p2 $0x0  }
0x16: {  	s3 =	sld [smem:$0x3FDB];
	s0 =	simm.s32 @p2 $0x1  }
0x17: {  	s4 =	simm.s32 $0x1BF5;
	[smem:$0x3FB7] =	sst s0  }
0x18: {  	s0 =	sld [smem:$0x3F9A];
	_ =	swait.ge [sflag:s4], $0x0  }
0x19: {  	s7 =	sld [smem:$0x3F9B]  }
0x1a: {  	s8 =	sadd.s32 $0xFFFFE003, lr  }
0x1b: {  	s9 =	sadd.s32 $0xFFFFFEF7, lr;
	s5 =	simm.s32 $0xFFFFFFFF;
	p2 =	slt.u32 s8, $0xFFFFF086  }
0x1c: {  	p1 =	slt.u32 s9, $0xF7A;
	s5 =	simm.s32 @!p2 $0x0  }
0x1d: {  	s5 =	simm.s32 @p1 $0x1;
	p0 =	seq.s32 s7, s2  }
0x1e: {  	s7 =	smul.u32 @!p0 $0xF7A, s2;
	p2 =	seq.s32 @!p0 s5, $0x0  }
0x1f: {  	s9 =	smul.u32 $0xF7A, s1;
	s8 =	simm.s32 @!p0 $0x1BF5;
	p2 =	por !p2, p0  }
0x20: {  	[sflag:s8] =	ssyncset.s32 @!p0 $0xFFFFF086;
	s6 =	sadd.s32 @!p0 s3, s7;
	s7 =	simm.s32 @!p0 $0x108  }
0x21: {  	s3 =	sadd.s32 s3, s9;
	s6 =	sadd.s32 @!p0 $0x88, s6;
	s7 =	simm.s32 @p2 $0x1082  }
0x22: {  	[simem:s7], [sflag:s8] =	dma.local @!p0 [hbm:s6], $0xF7A  }
0x23: {  	s9 =	sor.u32 $0xD0000000, s2;
	s6 =	simm.s32 $0x108;
	_ =	swait.ge @!p0 [sflag:s8], $0x0  }
0x24: {  	s3 =	sadd.s32 $0x88, s3;
	s6 =	simm.s32 @!p1 $0x1082;
	[sflag:s4] =	ssyncset.s32 $0xFFFFF086  }
0x25: {  	[simem:s6], [sflag:s4] =	dma.local [hbm:s3], $0xF7A  }
0x26: {  	[smem:$0x3F9B] =	sst s1;
	(tag) =	ssettag s2;
	_ =	strace s9  }
0x27: {  	s1 =	sld [smem:$0x3FAB]  }
0x28: {  	s2 =	sld [smem:$0x3FAC]  }
0x29: {  	s4 =	sld [smem:$0x3FAE]  }
0x2a: {  	p0 =	seq.s32 s5, $0x0;
	s5 =	sld [smem:$0x3FAF]  }
0x2b: {  	s6 =	sld [smem:$0x3FB0]  }
0x2c: {  	s7 =	sld [smem:$0x3FB1]  }
0x2d: {  	s3 =	simm.s32 $0x108;
	s8 =	sld [smem:$0x3FB2]  }
0x2e: {  	s3 =	simm.s32 @!p0 $0x1082;
	s9 =	sld [smem:$0x3FB3]  }
0x2f: {  	lr =	sadd.s32 s0, s3;
	s0 =	sld [smem:$0x3FAA]  }
0x30: {  	s3 =	sld [smem:$0x3FAD]  }
0x31: {  	[smem:$0x3FB6] =	sst s10  }
0x32: {  	s10 =	sld [smem:$0x3FB4];
	_ =	sdelay $0x3  }
0x33: {  	p0 =	seq.s32 s10, $0x1;
	s10 =	sld [smem:$0x3FB6];
	_ =	sdelay $0x3  }
0x34: {  	[smem:$0x3FB6] =	sst s10  }
0x35: {  	s10 =	sld [smem:$0x3FB5];
	_ =	sdelay $0x3  }
0x36: {  	p1 =	seq.s32 s10, $0x1;
	s10 =	sld [smem:$0x3FB6];
	_ =	sdelay $0x3  }
0x37: {  	[smem:$0x3FB6] =	sst s10  }
0x38: {  	s10 =	sld [smem:$0x3FB7]  }
0x39: {  	_ = 	snop;
	(pc) =	sbr.ind lr, $3  }
0x3a: {  	_ = 	snop  }
0x3b: {  	_ = 	snop  }
0x3c: {  	p2 =	seq.s32 s10, $0x1;
	s10 =	sld [smem:$0x3FB6]  }
0x3d: {  	_ =	shalt  }
0x3e: {  	_ =	shalt  }
0x3f: {  	_ =	shalt  }
0x40: {  	_ =	shalt  }
0x41: {  	_ =	shalt  }
0x42: {  	_ =	shalt  }
0x43: {  	_ =	shalt  }
0x44: {  	_ =	shalt  }
0x45: {  	_ =	shalt  }
0x46: {  	_ =	shalt  }
0x47: {  	_ =	shalt  }
0x48: {  	_ =	shalt  }
0x49: {  	_ =	shalt  }
0x4a: {  	_ =	shalt  }
0x4b: {  	_ =	shalt  }
0x4c: {  	_ =	shalt  }
0x4d: {  	_ =	shalt  }
0x4e: {  	_ =	shalt  }
0x4f: {  	_ =	shalt  }
0x50: {  	_ =	shalt  }
0x51: {  	_ =	shalt  }
0x52: {  	_ =	shalt  }
0x53: {  	_ =	shalt  }
0x54: {  	_ =	shalt  }
0x55: {  	_ =	shalt  }
0x56: {  	_ =	shalt  }
0x57: {  	_ =	shalt  }
0x58: {  	_ =	shalt  }
0x59: {  	_ =	shalt  }
0x5a: {  	_ =	shalt  }
0x5b: {  	_ =	shalt  }
0x5c: {  	_ =	shalt  }
0x5d: {  	_ =	shalt  }
0x5e: {  	_ =	shalt  }
0x5f: {  	_ =	shalt  }
0x60: {  	_ =	shalt  }
0x61: {  	_ =	shalt  }
0x62: {  	_ =	shalt  }
0x63: {  	_ =	shalt  }
0x64: {  	_ =	shalt  }
0x65: {  	_ =	shalt  }
0x66: {  	_ =	shalt  }
0x67: {  	_ =	shalt  }
0x68: {  	_ =	shalt  }
0x69: {  	_ =	shalt  }
0x6a: {  	_ =	shalt  }
0x6b: {  	_ =	shalt  }
0x6c: {  	_ =	shalt  }
0x6d: {  	_ =	shalt  }
0x6e: {  	_ =	shalt  }
0x6f: {  	_ =	shalt  }
0x70: {  	_ =	shalt  }
0x71: {  	_ =	shalt  }
0x72: {  	_ =	shalt  }
0x73: {  	_ =	shalt  }
0x74: {  	_ =	shalt  }
0x75: {  	_ =	shalt  }
0x76: {  	_ =	shalt  }
0x77: {  	_ =	shalt  }
0x78: {  	_ =	shalt  }
0x79: {  	_ =	shalt  }
0x7a: {  	_ =	shalt  }
0x7b: {  	_ =	shalt  }
0x7c: {  	_ =	shalt  }
0x7d: {  	_ =	shalt  }
0x7e: {  	_ =	shalt  }
0x7f: {  	_ =	shalt  }
0x80: {  	_ =	shalt  }
0x81: {  	_ =	shalt  }
0x82: {  	_ =	shalt  }
0x83: {  	_ =	shalt  }
0x84: {  	_ =	shalt  }
0x85: {  	_ =	shalt  }
0x86: {  	_ =	shalt  }
0x87: {  	_ =	shalt  }
.Lfunc_end0:
.L_simem_size_0:
called_computation.1_lowered:
.L_overlay_start_0:
0x88: {  	s2 =	sld [smem:$0x3FD9]  }
0x89: {  	s3 =	sld [smem:$0x3FFE];
	_ =	sdelay $0x1  }
0x8a: {  	s1 =	srdreg.scid  }
0x8b: {  	s0 =	sand.u32 $0x1, s1  }
0x8c: {  	s17 =	sshll.u32 s0, $0xA;
	s2 =	sadd.s32 s3, s2  }
0x8d: {  	s2 =	sadd.s32 s2, s17  }
0x8e: {  	[smem:$0x3FC2] =	sst s2  }
0x8f: {  	_ = 	snop  }
0x90: {  	s18 =	sld [smem:$0x3FD0];
	(tm) =	ssettm $0x1  }
0x91: {  	s19 =	sld [smem:$0x3FFB];
	_ =	sdelay $0x3  }
0x92: {  	_ =	strace s19  }
0x93: {  	s2 =	sld [smem:$0x3FFC];
	_ =	sdelay $0x3  }
0x94: {  	_ =	strace s2  }
0x95: {  	s2 =	sld [smem:$0x3FFD];
	_ =	sdelay $0x3  }
0x96: {  	_ =	strace s2  }
0x97: {  	_ =	strace $0x8FFFFFFF  }
0x98: {  	s20 =	sld [smem:$0x3FDB];
	_ =	sdelay $0x1  }
0x99: {  	s4 =	simm.s32 $_scs_section_size  }
0x9a: {  	s5 =	simm.s32 $_size__tile_overlayer_lowered;
	s6 =	simm.s32 $_tile_overlayer_lowered  }
0x9b: {  	s7 =	simm.s32 $0x1BFF;
	s21 =	sshll.u32 s6, $0x1;
	s4 =	sadd.s32 s4, s20  }
0x9c: {  	s22 =	simm.s32 $0x0;
	s5 =	sshll.u32 s5, $0x1;
	s6 =	sadd.s32 s21, s4  }
0x9d: {  	[timem:s22], [sflag:s7] =	dma.local [hbm:s6], s5  }
0x9e: {  	_ =	swait.ge [sflag:s7], s5  }
0x9f: {  	s5 =	ssub.s32 $0x0, s5;
	[sflag:s7] =	ssyncset.done $0x0  }
0xa0: {  	[sflag:s7] =	ssyncadd.s32 s5;
	_ =	sdelay $0x1  }
0xa1: {  	s23 =	simm.s32 $0x1B8B  }
0xa2: {  	_ =	swait.ge [sflag:s23], $0x1  }
0xa3: {  	[sflag:s23] =	ssyncset.done $0x0  }
0xa4: {  	[sflag:s23] =	ssyncadd.s32 $0xFFFFFFFF  }
0xa5: {  	s5 =	sld [smem:$0x0]  }
0xa6: {  	s6 =	sand.u32 $0xFFFFFFFE, s1  }
0xa7: {  	p0 =	sne.s32 s1, s6  }
0xa8: {  	s6 =	sshll.u32 @p0 s6, $0xE  }
0xa9: {  	s6 =	sadd.s32 @p0 $0x11B8D, s6;
	s7 =	sshll.u32 @p0 s5, $0x11  }
0xaa: {  	s6 =	sor.u32 @p0 s7, s6  }
0xab: {  	[sflag:s6] =	ssyncadd.remote.s32 @p0 $0x1;
	_ =	sdelay $0x1  }
0xac: {  	s6 =	simm.s32 @p0 $0x1B8D  }
0xad: {  	_ =	swait.eq @p0 [sflag:s6], $0x1  }
0xae: {  	[sflag:s6] =	ssyncadd.s32 @p0 $0xFFFFFFFF  }
0xaf: {  	s7 =	sshll.u32 @!p0 s1, $0xE  }
0xb0: {  	s7 =	sor.u32 @!p0 $0x4000, s7;
	s6 =	simm.s32 @!p0 $0x1B8D  }
0xb1: {  	s5 =	sshll.u32 @!p0 s5, $0x11;
	s7 =	sadd.s32 @!p0 $0x11B8D, s7;
	_ =	swait.eq @!p0 [sflag:s6], $0x1  }
0xb2: {  	s5 =	sor.u32 @!p0 s5, s7;
	[sflag:s6] =	ssyncadd.s32 @!p0 $0xFFFFFFFF  }
0xb3: {  	s25 =	simm.s32 $0x1B8E;
	s24 =	sld [smem:$0x3FFE];
	[sflag:s5] =	ssyncadd.remote.s32 @!p0 $0x1  }
0xb4: {  	s26 =	simm.s32 $execute0_lowered;
	[smem:$0x3FD2] =	sst s25  }
0xb5: {  	s6 =	sshll.u32 s26, $0x1;
	_ =	strace $0x80000049;
	[dreg:$0x1] =	wrdreg $0xFFFFFFFF  }
0xb6: {  	s28 =	simm.s32 $_size_execute0_lowered;
	s4 =	sadd.s32 s4, s6;
	[dreg:$0x0] =	wrdreg $0x0  }
0xb7: {  	s6 =	sshll.u32 s28, $0x1;
	[dreg:$0x2] =	wrdreg s4  }
0xb8: {  	[dreg:$0x3] =	wrdreg s6  }
0xb9: {  	[dreg:$0x4] =	wrdreg $0xC0  }
0xba: {  	_ =	task [dreg:s22], $0x5FFFF  }
0xbb: {  	[dreg:$0x1] =	wrdreg $0xFFFFFFFF  }
0xbc: {  	[dreg:$0x0] =	wrdreg $0x60  }
0xbd: {  	[dreg:$0x2] =	wrdreg s18  }
0xbe: {  	[dreg:$0x3] =	wrdreg s24  }
0xbf: {  	[dreg:$0x4] =	wrdreg $0xA8000  }
0xc0: {  	[dreg:$0x5] =	wrdreg $0xA  }
0xc1: {  	_ =	task.clear_ibuf [dreg:s22], $0x6FFFF;
	_ =	strace $0x90000049  }
0xc2: {  	s29 =	simm.s32 $0xA;
	_ =	strace $0x8000004B  }
0xc3: {  	_ =	swait.ge [sflag:s29], $0x1  }
0xc4: {  	[sflag:s29] =	ssyncadd.s32 $0xFFFFFFFF  }
0xc5: {  	_ =	strace $0x9000004B  }
0xc6: {  	_ =	sfence  }
0xc7: {  	s30 =	sld [smem:$0x0];
	_ =	sdelay $0x2  }
0xc8: {  	s31 =	sshll.u32 s1, $0xD;
	s1 =	sshrl.u32 s1, $0x2  }
0xc9: {  	s4 =	sand.u32 $0x4000, s31;
	s1 =	sadd.s32 s1, s30  }
0xca: {  	s0 =	sor.u32 s4, s0;
	s1 =	sshll.u32 s1, $0x11  }
0xcb: {  	s0 =	sor.u32 s1, s0  }
0xcc: {  	s0 =	sadd.s32 $0x8F2B, s0  }
0xcd: {  	[sflag:s0] =	ssyncadd.remote.s32 $0x1  }
0xce: {  	_ =	sfence.sel $0xFFFF  }
0xcf: {  	[dreg:$0x0] =	wrdreg $0xFFFFFFFF;
	(pc) =	sbr.abs _section_cstart, $3  }
0xd0: {  	[dreg:$0x1] =	wrdreg $0xFFFFFFFF  }
0xd1: {  	_ =	task.clear_ibuf [dreg:s22], $0x2FFFF;
	_ =	strace $0x9FFFFFFF  }
0xd2: {  	(tm) =	ssettm $0x7FFFFFFF  }
0xd3: {  	_ =	shalt  }
tec
execute0_lowered:
.L_overlay_start_1:
0x0: {  	(tag) =	ssettag $0x1  }
0x1: {  	s6 =	rddreg [dreg:$0x0]  }
0x2: {  	s7 =	rddreg [dreg:$0x1]  }
0x3: {  	s1 =	rddreg [dreg:$0x2]  }
0x4: {  	s2 =	srdreg.scid;
	s0 =	rddreg [dreg:$0x3]  }
0x5: {  	s3 =	simm.s32 $0x0;
	s14 =	simm.s32 $0x1;
	s15 =	simm.s32 $0x2800  }
0x6: {  	s16 =	simm.s32 $0x6800;
	s17 =	simm.s32 $0x80;
	s5 =	sand.u32 $0x1, s2  }
0x7: {  	s20 =	simm.s32 $0x0;
	s2 =	stileid.u32;
	s8 =	smul.u32 $0x140000, s5  }
0x8: {  	[smem:$0x7FF] =	sst s3;
	s9 =	smul.u32 $0x14000, s2;
	s4 =	sshll.u32 s5, $0x4  }
0x9: {  	_ =	strace $0x8000004A;
	s29 =	ssub.s32 $0x2, s5;
	s11 =	smul.u32 $0x50000, s2  }
0xa: {  	s5 =	sadd.s32 $0x83A00, s7;
	s18 =	sshll.u32 s2, $0x6;
	s10 =	sor.u32 s2, s4  }
0xb: {  	s4 =	sadd.s32 $0x84200, s7;
	s30 =	sshrl.u32 s29, $0x1;
	s18 =	sor.u32 $0x1C01, s18  }
0xc: {  	s8 =	sadd.s32 s9, s8;
	s28 =	smul.u32 $0x500, s10;
	s10 =	ssub.s32 s29, s30  }
0xd: {  	s31 =	sshrl.u32 s11, $0x2;
	s8 =	sshrl.u32 s8, $0x3;
	s9 =	smax.u32 s10, $0x1  }
0xe: {  	s8 =	sadd.s32 s8, s7;
	s6 =	sadd.s32 s6, s28;
	s7 =	sadd.s32 s31, s1  }
0xf: {  	s8 =	sadd.s32 $0x84A00, s8;
	s10 =	sadd.s32 $0x4000, s7;
	s11 =	sadd.s32 $0x8000, s7  }
0x10: {  	s12 =	sadd.s32 $0xC000, s7;
	s13 =	sadd.s32 $0x10000, s7;
	s19 =	sshrl.u32 s7, $0x3  }
.LBB2_1:
0x11: {  	[tilespmem:s3], [sflag:$0x1] =	stream.linear.gather [hbm4b:s6+s3], $0x2800, $0x38;
	[tilespmem:$0x1E800] =	vst v63  }
0x12: {  	_ =	swait.ge [sflag:s14], $0x2800  }
0x13: {  	[sflag:s14] =	ssyncset.done $0x0  }
0x14: {  	[sflag:s14] =	ssyncadd.s32 $0xFFFFD800  }
0x15: {  	[tilespmem:s15], [sflag:$0x1] =	stream.linear.gather [hbm4b:s4+s3], $0x4000, $0x38;
	[tilespmem:$0x1E800] =	vst v63  }
0x16: {  	_ =	swait.ge [sflag:s14], $0x4000  }
0x17: {  	[sflag:s14] =	ssyncset.done $0x0  }
0x18: {  	[sflag:s14] =	ssyncadd.s32 $0xFFFFC000  }
0x19: {  	[tilespmem:s16], [sflag:$0x1] =	stream.linear.gather [hbm4b:s5+s3], $0x4000, $0x38;
	[tilespmem:$0x1E800] =	vst v63  }
0x1a: {  	_ =	swait.ge [sflag:s14], $0x4000  }
0x1b: {  	[sflag:s14] =	ssyncset.done $0x0  }
0x1c: {  	[sflag:s14] =	ssyncadd.s32 $0xFFFFC000  }
0x1d: {  	[spmem:s7] =	stream.linear.scatter [tilespmem:s16], [sflag:$0x1], $0x4000, $0x38;
	[tilespmem:$0x1E800] =	vst v63  }
0x1e: {  	_ =	swait.ge [sflag:s14], $0x4000  }
0x1f: {  	[sflag:s14] =	ssyncset.done $0x0  }
0x20: {  	[sflag:s14] =	ssyncadd.s32 $0xFFFFC000  }
0x21: {  	[spmem:s10] =	stream.linear.scatter [tilespmem:s16], [sflag:$0x1], $0x4000, $0x38;
	[tilespmem:$0x1E800] =	vst v63  }
0x22: {  	_ =	swait.ge [sflag:s14], $0x4000  }
0x23: {  	[sflag:s14] =	ssyncset.done $0x0  }
0x24: {  	[sflag:s14] =	ssyncadd.s32 $0xFFFFC000  }
0x25: {  	[spmem:s11] =	stream.linear.scatter [tilespmem:s16], [sflag:$0x1], $0x4000, $0x38;
	[tilespmem:$0x1E800] =	vst v63  }
0x26: {  	_ =	swait.ge [sflag:s14], $0x4000  }
0x27: {  	[sflag:s14] =	ssyncset.done $0x0  }
0x28: {  	[sflag:s14] =	ssyncadd.s32 $0xFFFFC000  }
0x29: {  	[spmem:s12] =	stream.linear.scatter [tilespmem:s16], [sflag:$0x1], $0x4000, $0x38;
	[tilespmem:$0x1E800] =	vst v63  }
0x2a: {  	_ =	swait.ge [sflag:s14], $0x4000  }
0x2b: {  	[sflag:s14] =	ssyncset.done $0x0  }
0x2c: {  	[sflag:s14] =	ssyncadd.s32 $0xFFFFC000  }
0x2d: {  	[spmem:s13] =	stream.linear.scatter [tilespmem:s16], [sflag:$0x1], $0x4000, $0x38;
	[tilespmem:$0x1E800] =	vst v63  }
0x2e: {  	_ =	swait.ge [sflag:s14], $0x4000  }
0x2f: {  	[sflag:s14] =	ssyncset.done $0x0  }
0x30: {  	[sflag:s14] =	ssyncadd.s32 $0xFFFFC000  }
0x31: {  	s21 =	simm.s32 $0x0;
	[bflag:$0x0] =	sbarrier.arrive $0xFFFF  }
0x32: {  	[spmem:s1] =	stream.indirect.scatter.add.f32 [tilespmem:s15], [sflag:$0x1], $0x80, s21, s17, $0xb8;
	[tilespmem:$0x1E800] =	vst v63  }
0x33: {  	_ =	swait.ge [sflag:s14], $0x4000  }
0x34: {  	s21 =	simm.s32 $0x200;
	[sflag:s14] =	ssyncset.done $0x0  }
.LBB2_2:
0x35: {  	s22 =	sshra.s32 s21, $0x2;
	[sflag:s14] =	ssyncadd.s32 $0xFFFFC000;
	p0 =	sne.s32 s21, $0x9E00  }
0x36: {  	[spmem:s1] =	stream.indirect.scatter.add.f32 [tilespmem:s15], [sflag:$0x1], $0x80, s22, s17, $0xb8;
	[tilespmem:$0x1E800] =	vst v63  }
.Ltmp0:
0x37: {  	_ = 	snop;
	(pc) =	sbr.rel @p0 .LBB2_2-.Ltmp0, $4  }
0x38: {  	_ = 	snop  }
0x39: {  	s21 =	sadd.s32 $0x200, s21  }
0x3a: {  	_ =	swait.ge [sflag:s14], $0x4000  }
0x3b: {  	[sflag:s14] =	ssyncset.done $0x0  }
0x3c: {  	s20 =	sadd.s32 $0x1, s20  }
0x3d: {  	[sflag:s14] =	ssyncadd.s32 $0xFFFFC000;
	p0 =	sne.s32 s20, s9  }
.Ltmp1:
0x3e: {  	[bflag:$0x0] =	sbarrier.arrive $0xFFFF;
	(pc) =	sbr.rel @p0 .LBB2_1-.Ltmp1, $4  }
0x3f: {  	[hbm:s8], [sflag:s18] =	dma.local [spmem:s19], $0x2800  }
0x40: {  	_ =	swait.ge [sflag:s14], $0x2800  }
0x41: {  	[sflag:s14] =	ssyncset.done $0x0  }
0x42: {  	[sflag:s14] =	ssyncadd.s32 $0xFFFFD800  }
0x43: {  	_ =	sfence.sel $0x180000  }
0x44: {  	[bflag:$0x0] =	sbarrier.arrive $0xFFFF  }
0x45: {  	p0 =	sne.s32 s2, $0x0;
	_ =	strace $0x9000004A  }
0x46: {  	s0 =	sadd.s32 @!p0 $0x100000, s0;
	[bflag:$0x2] =	sbarrier.arrive $0xFFFF  }
0x47: {  	[sflag:s0] =	ssyncadd.tile.s32 @!p0 $0x1;
	_ =	shalt  }
.Lfunc_end2:
_tile_overlayer_lowered:
.L_overlay_start_2:
0x48: {  	(tag) =	ssettag $0x2  }
0x49: {  	s0 =	rddreg [dreg:$0x0];
	s2 =	stileid.u32  }
0x4a: {  	s1 =	rddreg [dreg:$0x1];
	p0 =	sne.s32 s2, $0x0  }
0x4b: {  	s3 =	rddreg [dreg:$0x2];
	[bflag:$0x3] =	sbarrier.arrive $0xFFFF;
	s2 =	simm.s32 @!p0 $0x1C01  }
0x4c: {  	[timem:s3], [sflag:s2] =	dma.local @!p0 [hbm:s0], s1  }
0x4d: {  	s0 =	simm.s32 @!p0 $0x1  }
0x4e: {  	_ =	swait.ge @!p0 [sflag:s0], s1  }
0x4f: {  	s1 =	ssub.s32 @!p0 $0x0, s1;
	[sflag:s0] =	ssyncset.done @!p0 $0x0  }
0x50: {  	[sflag:s0] =	ssyncadd.s32 @!p0 s1  }
0x51: {  	[bflag:$0x3] =	sbarrier.arrive $0xFFFF  }
0x52: {  	_ =	shalt  }

// kernel: kernel.15.cloned.1.call-start
scs
__scs_entry_jumppad:
0x0: {  	(pc) =	sbr.rel $0x88, $3  }
0x1: {  	(tag) =	ssettag $0x0;
	lr =	simm.s32 $0x1  }
0x2: {  	[smem:$0x3F9B] =	sst lr;
	_ =	strace $0xD0000000  }
0x3: {  	_ = 	snop  }
0x4: {  	_ = 	snop  }
0x5: {  	_ = 	snop  }
0x6: {  	_ = 	snop  }
0x7: {  	_ = 	snop  }
__scs_overlays_trampoline_lowered:
0x8: {  	[smem:$0x3FAA] =	sst s0  }
0x9: {  	[smem:$0x3FAB] =	sst s1  }
0xa: {  	[smem:$0x3FAC] =	sst s2  }
0xb: {  	[smem:$0x3FAD] =	sst s3  }
0xc: {  	[smem:$0x3FAE] =	sst s4  }
0xd: {  	[smem:$0x3FAF] =	sst s5  }
0xe: {  	[smem:$0x3FB0] =	sst s6  }
0xf: {  	[smem:$0x3FB1] =	sst s7  }
0x10: {  	[smem:$0x3FB2] =	sst s8  }
0x11: {  	[smem:$0x3FB3] =	sst s9;
	s0 =	simm.s32 @!p0 $0x0  }
0x12: {  	s1 =	sld [smem:$0x3F99];
	s0 =	simm.s32 @p0 $0x1  }
0x13: {  	[smem:$0x3FB4] =	sst s0;
	s0 =	simm.s32 @!p1 $0x0  }
0x14: {  	s2 =	sld [smem:$0x3F98];
	s0 =	simm.s32 @p1 $0x1  }
0x15: {  	[smem:$0x3FB5] =	sst s0;
	s0 =	simm.s32 @!p2 $0x0  }
0x16: {  	s3 =	sld [smem:$0x3FDB];
	s0 =	simm.s32 @p2 $0x1  }
0x17: {  	s4 =	simm.s32 $0x1BF5;
	[smem:$0x3FB7] =	sst s0  }
0x18: {  	s0 =	sld [smem:$0x3F9A];
	_ =	swait.ge [sflag:s4], $0x0  }
0x19: {  	s7 =	sld [smem:$0x3F9B]  }
0x1a: {  	s8 =	sadd.s32 $0xFFFFE003, lr  }
0x1b: {  	s9 =	sadd.s32 $0xFFFFFEF7, lr;
	s5 =	simm.s32 $0xFFFFFFFF;
	p2 =	slt.u32 s8, $0xFFFFF086  }
0x1c: {  	p1 =	slt.u32 s9, $0xF7A;
	s5 =	simm.s32 @!p2 $0x0  }
0x1d: {  	s5 =	simm.s32 @p1 $0x1;
	p0 =	seq.s32 s7, s2  }
0x1e: {  	s7 =	smul.u32 @!p0 $0xF7A, s2;
	p2 =	seq.s32 @!p0 s5, $0x0  }
0x1f: {  	s9 =	smul.u32 $0xF7A, s1;
	s8 =	simm.s32 @!p0 $0x1BF5;
	p2 =	por !p2, p0  }
0x20: {  	[sflag:s8] =	ssyncset.s32 @!p0 $0xFFFFF086;
	s6 =	sadd.s32 @!p0 s3, s7;
	s7 =	simm.s32 @!p0 $0x108  }
0x21: {  	s3 =	sadd.s32 s3, s9;
	s6 =	sadd.s32 @!p0 $0x88, s6;
	s7 =	simm.s32 @p2 $0x1082  }
0x22: {  	[simem:s7], [sflag:s8] =	dma.local @!p0 [hbm:s6], $0xF7A  }
0x23: {  	s9 =	sor.u32 $0xD0000000, s2;
	s6 =	simm.s32 $0x108;
	_ =	swait.ge @!p0 [sflag:s8], $0x0  }
0x24: {  	s3 =	sadd.s32 $0x88, s3;
	s6 =	simm.s32 @!p1 $0x1082;
	[sflag:s4] =	ssyncset.s32 $0xFFFFF086  }
0x25: {  	[simem:s6], [sflag:s4] =	dma.local [hbm:s3], $0xF7A  }
0x26: {  	[smem:$0x3F9B] =	sst s1;
	(tag) =	ssettag s2;
	_ =	strace s9  }
0x27: {  	s1 =	sld [smem:$0x3FAB]  }
0x28: {  	s2 =	sld [smem:$0x3FAC]  }
0x29: {  	s4 =	sld [smem:$0x3FAE]  }
0x2a: {  	p0 =	seq.s32 s5, $0x0;
	s5 =	sld [smem:$0x3FAF]  }
0x2b: {  	s6 =	sld [smem:$0x3FB0]  }
0x2c: {  	s7 =	sld [smem:$0x3FB1]  }
0x2d: {  	s3 =	simm.s32 $0x108;
	s8 =	sld [smem:$0x3FB2]  }
0x2e: {  	s3 =	simm.s32 @!p0 $0x1082;
	s9 =	sld [smem:$0x3FB3]  }
0x2f: {  	lr =	sadd.s32 s0, s3;
	s0 =	sld [smem:$0x3FAA]  }
0x30: {  	s3 =	sld [smem:$0x3FAD]  }
0x31: {  	[smem:$0x3FB6] =	sst s10  }
0x32: {  	s10 =	sld [smem:$0x3FB4];
	_ =	sdelay $0x3  }
0x33: {  	p0 =	seq.s32 s10, $0x1;
	s10 =	sld [smem:$0x3FB6];
	_ =	sdelay $0x3  }
0x34: {  	[smem:$0x3FB6] =	sst s10  }
0x35: {  	s10 =	sld [smem:$0x3FB5];
	_ =	sdelay $0x3  }
0x36: {  	p1 =	seq.s32 s10, $0x1;
	s10 =	sld [smem:$0x3FB6];
	_ =	sdelay $0x3  }
0x37: {  	[smem:$0x3FB6] =	sst s10  }
0x38: {  	s10 =	sld [smem:$0x3FB7]  }
0x39: {  	_ = 	snop;
	(pc) =	sbr.ind lr, $3  }
0x3a: {  	_ = 	snop  }
0x3b: {  	_ = 	snop  }
0x3c: {  	p2 =	seq.s32 s10, $0x1;
	s10 =	sld [smem:$0x3FB6]  }
0x3d: {  	_ =	shalt  }
0x3e: {  	_ =	shalt  }
0x3f: {  	_ =	shalt  }
0x40: {  	_ =	shalt  }
0x41: {  	_ =	shalt  }
0x42: {  	_ =	shalt  }
0x43: {  	_ =	shalt  }
0x44: {  	_ =	shalt  }
0x45: {  	_ =	shalt  }
0x46: {  	_ =	shalt  }
0x47: {  	_ =	shalt  }
0x48: {  	_ =	shalt  }
0x49: {  	_ =	shalt  }
0x4a: {  	_ =	shalt  }
0x4b: {  	_ =	shalt  }
0x4c: {  	_ =	shalt  }
0x4d: {  	_ =	shalt  }
0x4e: {  	_ =	shalt  }
0x4f: {  	_ =	shalt  }
0x50: {  	_ =	shalt  }
0x51: {  	_ =	shalt  }
0x52: {  	_ =	shalt  }
0x53: {  	_ =	shalt  }
0x54: {  	_ =	shalt  }
0x55: {  	_ =	shalt  }
0x56: {  	_ =	shalt  }
0x57: {  	_ =	shalt  }
0x58: {  	_ =	shalt  }
0x59: {  	_ =	shalt  }
0x5a: {  	_ =	shalt  }
0x5b: {  	_ =	shalt  }
0x5c: {  	_ =	shalt  }
0x5d: {  	_ =	shalt  }
0x5e: {  	_ =	shalt  }
0x5f: {  	_ =	shalt  }
0x60: {  	_ =	shalt  }
0x61: {  	_ =	shalt  }
0x62: {  	_ =	shalt  }
0x63: {  	_ =	shalt  }
0x64: {  	_ =	shalt  }
0x65: {  	_ =	shalt  }
0x66: {  	_ =	shalt  }
0x67: {  	_ =	shalt  }
0x68: {  	_ =	shalt  }
0x69: {  	_ =	shalt  }
0x6a: {  	_ =	shalt  }
0x6b: {  	_ =	shalt  }
0x6c: {  	_ =	shalt  }
0x6d: {  	_ =	shalt  }
0x6e: {  	_ =	shalt  }
0x6f: {  	_ =	shalt  }
0x70: {  	_ =	shalt  }
0x71: {  	_ =	shalt  }
0x72: {  	_ =	shalt  }
0x73: {  	_ =	shalt  }
0x74: {  	_ =	shalt  }
0x75: {  	_ =	shalt  }
0x76: {  	_ =	shalt  }
0x77: {  	_ =	shalt  }
0x78: {  	_ =	shalt  }
0x79: {  	_ =	shalt  }
0x7a: {  	_ =	shalt  }
0x7b: {  	_ =	shalt  }
0x7c: {  	_ =	shalt  }
0x7d: {  	_ =	shalt  }
0x7e: {  	_ =	shalt  }
0x7f: {  	_ =	shalt  }
0x80: {  	_ =	shalt  }
0x81: {  	_ =	shalt  }
0x82: {  	_ =	shalt  }
0x83: {  	_ =	shalt  }
0x84: {  	_ =	shalt  }
0x85: {  	_ =	shalt  }
0x86: {  	_ =	shalt  }
0x87: {  	_ =	shalt  }
.Lfunc_end0:
.L_simem_size_0:
called_computation.2_lowered:
.L_overlay_start_0:
0x88: {  	s2 =	sld [smem:$0x3FD9]  }
0x89: {  	s3 =	sld [smem:$0x3FFE];
	_ =	sdelay $0x1  }
0x8a: {  	s1 =	srdreg.scid  }
0x8b: {  	s0 =	sand.u32 $0x1, s1  }
0x8c: {  	s17 =	sshll.u32 s0, $0xA;
	s2 =	sadd.s32 s3, s2  }
0x8d: {  	s2 =	sadd.s32 s2, s17  }
0x8e: {  	[smem:$0x3FC2] =	sst s2  }
0x8f: {  	_ = 	snop  }
0x90: {  	s2 =	sld [smem:$0x3FD0];
	(tm) =	ssettm $0x1  }
0x91: {  	s18 =	sld [smem:$0x3FFB];
	_ =	sdelay $0x3  }
0x92: {  	_ =	strace s18  }
0x93: {  	s3 =	sld [smem:$0x3FFC];
	_ =	sdelay $0x3  }
0x94: {  	_ =	strace s3  }
0x95: {  	s3 =	sld [smem:$0x3FFD];
	_ =	sdelay $0x3  }
0x96: {  	_ =	strace s3  }
0x97: {  	_ =	strace $0x8FFFFFFF  }
0x98: {  	s19 =	sld [smem:$0x3FDB];
	_ =	sdelay $0x1  }
0x99: {  	s4 =	simm.s32 $_scs_section_size  }
0x9a: {  	s5 =	simm.s32 $_size__tile_overlayer_lowered;
	s6 =	simm.s32 $_tile_overlayer_lowered  }
0x9b: {  	s22 =	simm.s32 $0x1BFF;
	s21 =	sshll.u32 s6, $0x1;
	s3 =	sadd.s32 s4, s19  }
0x9c: {  	s7 =	simm.s32 $0x0;
	s20 =	sshll.u32 s5, $0x1;
	s5 =	sadd.s32 s21, s3  }
0x9d: {  	[timem:s7], [sflag:s22] =	dma.local [hbm:s5], s20  }
0x9e: {  	_ =	swait.ge [sflag:s22], s20  }
0x9f: {  	s4 =	ssub.s32 $0x0, s20;
	[sflag:s22] =	ssyncset.done $0x0  }
0xa0: {  	[sflag:s22] =	ssyncadd.s32 s4;
	_ =	sdelay $0x1  }
0xa1: {  	s23 =	simm.s32 $0x1B8B  }
0xa2: {  	_ =	swait.ge [sflag:s23], $0x1  }
0xa3: {  	[sflag:s23] =	ssyncset.done $0x0  }
0xa4: {  	s25 =	simm.s32 $0x1B8E;
	s24 =	sld [smem:$0x3FFE];
	[sflag:s23] =	ssyncadd.s32 $0xFFFFFFFF  }
0xa5: {  	s26 =	simm.s32 $execute0_lowered;
	[smem:$0x3FD2] =	sst s25  }
0xa6: {  	s5 =	sshll.u32 s26, $0x1;
	_ =	strace $0x80000046;
	[dreg:$0x1] =	wrdreg $0xFFFFFFFF  }
0xa7: {  	s28 =	simm.s32 $_size_execute0_lowered;
	s3 =	sadd.s32 s3, s5;
	[dreg:$0x0] =	wrdreg $0x0  }
0xa8: {  	s5 =	sshll.u32 s28, $0x1;
	[dreg:$0x2] =	wrdreg s3  }
0xa9: {  	[dreg:$0x3] =	wrdreg s5  }
0xaa: {  	[dreg:$0x4] =	wrdreg $0xC0  }
0xab: {  	_ =	task [dreg:s7], $0x5FFFF  }
0xac: {  	[dreg:$0x1] =	wrdreg $0xFFFFFFFF  }
0xad: {  	[dreg:$0x0] =	wrdreg $0x60  }
0xae: {  	[dreg:$0x2] =	wrdreg s24  }
0xaf: {  	[dreg:$0x3] =	wrdreg s2  }
0xb0: {  	[dreg:$0x4] =	wrdreg $0x90000  }
0xb1: {  	[dreg:$0x5] =	wrdreg $0xB  }
0xb2: {  	_ =	task.clear_ibuf [dreg:s7], $0x6FFFF;
	_ =	strace $0x90000046  }
0xb3: {  	s29 =	simm.s32 $0xB;
	_ =	strace $0x80000048  }
0xb4: {  	_ =	swait.ge [sflag:s29], $0x1  }
0xb5: {  	[sflag:s29] =	ssyncadd.s32 $0xFFFFFFFF  }
0xb6: {  	_ =	strace $0x90000048  }
0xb7: {  	_ =	sfence  }
0xb8: {  	s30 =	sld [smem:$0x0];
	_ =	sdelay $0x2  }
0xb9: {  	s31 =	sshll.u32 s1, $0xD;
	s1 =	sshrl.u32 s1, $0x2  }
0xba: {  	s3 =	sand.u32 $0x4000, s31;
	s1 =	sadd.s32 s1, s30  }
0xbb: {  	s0 =	sor.u32 s3, s0;
	s1 =	sshll.u32 s1, $0x11  }
0xbc: {  	s0 =	sor.u32 s1, s0  }
0xbd: {  	s0 =	sadd.s32 $0x8F2B, s0  }
0xbe: {  	[sflag:s0] =	ssyncadd.remote.s32 $0x1  }
0xbf: {  	_ =	sfence.sel $0xFFFF  }
0xc0: {  	[dreg:$0x0] =	wrdreg $0xFFFFFFFF;
	(pc) =	sbr.abs _section_cstart, $3  }
0xc1: {  	[dreg:$0x1] =	wrdreg $0xFFFFFFFF  }
0xc2: {  	_ =	task.clear_ibuf [dreg:s7], $0x2FFFF;
	_ =	strace $0x9FFFFFFF  }
0xc3: {  	(tm) =	ssettm $0x7FFFFFFF  }
tec
execute0_lowered:
.L_overlay_start_1:
0x0: {  	(tag) =	ssettag $0x1  }
0x1: {  	s5 =	rddreg [dreg:$0x0]  }
0x2: {  	s6 =	rddreg [dreg:$0x1]  }
0x3: {  	s1 =	rddreg [dreg:$0x2]  }
0x4: {  	s2 =	srdreg.scid;
	s0 =	rddreg [dreg:$0x3];
	s3 =	simm.s32 $0x0  }
0x5: {  	s14 =	simm.s32 $0x2;
	s15 =	simm.s32 $0x2800;
	s16 =	simm.s32 $0x5000  }
0x6: {  	s17 =	simm.s32 $0x80;
	s7 =	sand.u32 $0x1, s2;
	s2 =	stileid.u32  }
0x7: {  	s18 =	simm.s32 $0x1;
	[smem:$0x7FF] =	sst s3;
	s8 =	smul.u32 $0x140000, s7  }
0x8: {  	s4 =	sadd.s32 $0x1A00, s5;
	s9 =	sshll.u32 s7, $0x4;
	s10 =	smul.u32 $0x14000, s2  }
0x9: {  	_ =	strace $0x80000047;
	s7 =	ssub.s32 $0x2, s7;
	s11 =	smul.u32 $0x50000, s2  }
0xa: {  	s19 =	sshll.u32 s2, $0x6;
	s9 =	sor.u32 s2, s9;
	s30 =	sshrl.u32 s7, $0x1  }
0xb: {  	s19 =	sor.u32 $0x1C02, s19;
	s9 =	smul.u32 $0x500, s9;
	s8 =	sadd.s32 s10, s8  }
0xc: {  	s10 =	ssub.s32 s7, s30;
	s31 =	sshrl.u32 s11, $0x2;
	s8 =	sshrl.u32 s8, $0x3  }
0xd: {  	s7 =	sadd.s32 s31, s1;
	s12 =	sadd.s32 s9, s5;
	s8 =	sadd.s32 s8, s5  }
0xe: {  	s6 =	sadd.s32 s6, s9;
	s9 =	smax.u32 s10, $0x1;
	s10 =	sadd.s32 $0x4000, s7  }
0xf: {  	s11 =	sadd.s32 $0x8000, s7;
	s13 =	sadd.s32 $0x10000, s7;
	s20 =	sshrl.u32 s7, $0x3  }
0x10: {  	v0 =	vimm.f32 $0.0e+00;
	s5 =	sadd.s32 $0x29A00, s12;
	s8 =	sadd.s32 $0x33A00, s8;
	s12 =	sadd.s32 $0xC000, s7  }
.LBB2_1:
0x11: {  	s21 =	simm.s32 $0x0;
	s22 =	simm.s32 $0x200  }
.LBB2_2:
0x12: {  	p0 =	sne.s32 s22, $0xFE00;
	[tilespmem:s21+$0x5070] =	vst v0  }
0x13: {  	[tilespmem:s21+$0x5000] =	vst v0  }
0x14: {  	[tilespmem:s21+$0x5010] =	vst v0  }
.Ltmp0:
0x15: {  	[tilespmem:s21+$0x5020] =	vst v0;
	(pc) =	sbr.rel @p0 .LBB2_2-.Ltmp0, $4  }
0x16: {  	[tilespmem:s21+$0x5030] =	vst v0  }
0x17: {  	[tilespmem:s21+$0x5040] =	vst v0  }
0x18: {  	[tilespmem:s21+$0x5050] =	vst v0  }
0x19: {  	[tilespmem:s21+$0x5060] =	vst v0;
	s21 =	sshra.s32 s22, $0x2;
	s22 =	sadd.s32 $0x200, s22  }
0x1a: {  	[tilespmem:s21+$0x5070] =	vst v0  }
0x1b: {  	[tilespmem:s21+$0x5000] =	vst v0  }
0x1c: {  	[tilespmem:s21+$0x5010] =	vst v0  }
0x1d: {  	[tilespmem:s21+$0x5020] =	vst v0  }
0x1e: {  	[tilespmem:s21+$0x5030] =	vst v0  }
0x1f: {  	[tilespmem:s21+$0x5040] =	vst v0  }
0x20: {  	[tilespmem:s21+$0x5050] =	vst v0  }
0x21: {  	[tilespmem:s21+$0x5060] =	vst v0;
	s29 =	simm.s32 $0x0  }
0x22: {  	[tilespmem:s29], [sflag:$0x2] =	stream.linear.gather [hbm4b:s5+s29], $0x2800, $0x38;
	[tilespmem:$0x1D000] =	vst v63  }
0x23: {  	_ =	swait.ge [sflag:s14], $0x2800  }
0x24: {  	[sflag:s14] =	ssyncset.done $0x0  }
0x25: {  	[sflag:s14] =	ssyncadd.s32 $0xFFFFD800  }
0x26: {  	[tilespmem:s15], [sflag:$0x2] =	stream.linear.gather [hbm4b:s6+s29], $0x2800, $0x38;
	[tilespmem:$0x1D000] =	vst v63  }
0x27: {  	_ =	swait.ge [sflag:s14], $0x2800  }
0x28: {  	[sflag:s14] =	ssyncset.done $0x0  }
0x29: {  	[sflag:s14] =	ssyncadd.s32 $0xFFFFD800  }
0x2a: {  	[spmem:s7] =	stream.linear.scatter [tilespmem:s16], [sflag:$0x2], $0x4000, $0x38;
	[tilespmem:$0x1D000] =	vst v63  }
0x2b: {  	_ =	swait.ge [sflag:s14], $0x4000  }
0x2c: {  	[sflag:s14] =	ssyncset.done $0x0  }
0x2d: {  	[sflag:s14] =	ssyncadd.s32 $0xFFFFC000  }
0x2e: {  	[spmem:s10] =	stream.linear.scatter [tilespmem:s16], [sflag:$0x2], $0x4000, $0x38;
	[tilespmem:$0x1D000] =	vst v63  }
0x2f: {  	_ =	swait.ge [sflag:s14], $0x4000  }
0x30: {  	[sflag:s14] =	ssyncset.done $0x0  }
0x31: {  	[sflag:s14] =	ssyncadd.s32 $0xFFFFC000  }
0x32: {  	[spmem:s11] =	stream.linear.scatter [tilespmem:s16], [sflag:$0x2], $0x4000, $0x38;
	[tilespmem:$0x1D000] =	vst v63  }
0x33: {  	_ =	swait.ge [sflag:s14], $0x4000  }
0x34: {  	[sflag:s14] =	ssyncset.done $0x0  }
0x35: {  	[sflag:s14] =	ssyncadd.s32 $0xFFFFC000  }
0x36: {  	[spmem:s12] =	stream.linear.scatter [tilespmem:s16], [sflag:$0x2], $0x4000, $0x38;
	[tilespmem:$0x1D000] =	vst v63  }
0x37: {  	_ =	swait.ge [sflag:s14], $0x4000  }
0x38: {  	[sflag:s14] =	ssyncset.done $0x0  }
0x39: {  	[sflag:s14] =	ssyncadd.s32 $0xFFFFC000  }
0x3a: {  	[spmem:s13] =	stream.linear.scatter [tilespmem:s16], [sflag:$0x2], $0x4000, $0x38;
	[tilespmem:$0x1D000] =	vst v63  }
0x3b: {  	_ =	swait.ge [sflag:s14], $0x4000  }
0x3c: {  	[sflag:s14] =	ssyncset.done $0x0  }
0x3d: {  	[sflag:s14] =	ssyncadd.s32 $0xFFFFC000  }
0x3e: {  	s30 =	simm.s32 $0x0;
	[bflag:$0x0] =	sbarrier.arrive $0xFFFF  }
0x3f: {  	[tilespmem:s16], [sflag:$0x1] =	stream.indirect.gather [hbm4b:s4+s17], $0x80, s30, s17, $0xb8;
	[tilespmem:$0x1D000] =	vst v63  }
0x40: {  	_ =	swait.ge [sflag:s18], $0x4000  }
0x41: {  	[sflag:s18] =	ssyncset.done $0x0  }
0x42: {  	s31 =	simm.s32 $0x2800;
	[sflag:s18] =	ssyncadd.s32 $0xFFFFC000  }
0x43: {  	[spmem:s1] =	stream.indirect.scatter.add.f32 [tilespmem:s16], [sflag:$0x2], $0x80, s31, s17, $0xb8;
	[tilespmem:$0x1D000] =	vst v63  }
0x44: {  	_ =	swait.ge [sflag:s14], $0x4000  }
0x45: {  	s21 =	simm.s32 $0x200;
	s22 =	simm.s32 $0x400;
	[sflag:s14] =	ssyncset.done $0x0  }
.LBB2_4:
0x46: {  	s23 =	sshra.s32 s21, $0x2  }
0x47: {  	[sflag:s14] =	ssyncadd.s32 $0xFFFFC000;
	s21 =	smov.u32 s22;
	s24 =	sadd.s32 $0x200, s22  }
0x48: {  	[tilespmem:s16], [sflag:$0x1] =	stream.indirect.gather [hbm4b:s4+s17], $0x80, s23, s17, $0xb8;
	[tilespmem:$0x1D000] =	vst v63  }
0x49: {  	p0 =	sne.s32 s22, $0x9E00;
	_ =	swait.ge [sflag:s18], $0x4000  }
.Ltmp1:
0x4a: {  	[sflag:s18] =	ssyncset.done $0x0;
	(pc) =	sbr.rel @p0 .LBB2_4-.Ltmp1, $4  }
0x4b: {  	s22 =	sadd.s32 $0x2800, s23;
	[sflag:s18] =	ssyncadd.s32 $0xFFFFC000  }
0x4c: {  	[spmem:s1] =	stream.indirect.scatter.add.f32 [tilespmem:s16], [sflag:$0x2], $0x80, s22, s17, $0xb8;
	[tilespmem:$0x1D000] =	vst v63  }
0x4d: {  	_ =	swait.ge [sflag:s14], $0x4000  }
0x4e: {  	s22 =	smov.u32 s24;
	[sflag:s14] =	ssyncset.done $0x0  }
0x4f: {  	s21 =	sshra.s32 s21, $0x2;
	[sflag:s14] =	ssyncadd.s32 $0xFFFFC000  }
0x50: {  	[tilespmem:s16], [sflag:$0x1] =	stream.indirect.gather [hbm4b:s4+s17], $0x80, s21, s17, $0xb8;
	[tilespmem:$0x1D000] =	vst v63  }
0x51: {  	_ =	swait.ge [sflag:s18], $0x4000  }
0x52: {  	[sflag:s18] =	ssyncset.done $0x0  }
0x53: {  	s21 =	sadd.s32 $0x2800, s21;
	[sflag:s18] =	ssyncadd.s32 $0xFFFFC000  }
0x54: {  	[spmem:s1] =	stream.indirect.scatter.add.f32 [tilespmem:s16], [sflag:$0x2], $0x80, s21, s17, $0xb8;
	[tilespmem:$0x1D000] =	vst v63  }
0x55: {  	_ =	swait.ge [sflag:s14], $0x4000  }
0x56: {  	s3 =	sadd.s32 $0x1, s3;
	[sflag:s14] =	ssyncset.done $0x0  }
0x57: {  	p0 =	sne.s32 s3, s9;
	[sflag:s14] =	ssyncadd.s32 $0xFFFFC000  }
.Ltmp2:
0x58: {  	[bflag:$0x0] =	sbarrier.arrive $0xFFFF;
	(pc) =	sbr.rel @p0 .LBB2_1-.Ltmp2, $4  }
0x59: {  	[hbm:s8], [sflag:s19] =	dma.local [spmem:s20], $0x2800  }
0x5a: {  	_ =	swait.ge [sflag:s14], $0x2800  }
0x5b: {  	[sflag:s14] =	ssyncset.done $0x0  }
0x5c: {  	[sflag:s14] =	ssyncadd.s32 $0xFFFFD800  }
0x5d: {  	_ =	sfence.sel $0x180000  }
0x5e: {  	[bflag:$0x0] =	sbarrier.arrive $0xFFFF  }
0x5f: {  	p0 =	sne.s32 s2, $0x0;
	_ =	strace $0x90000047  }
0x60: {  	s0 =	sadd.s32 @!p0 $0x100000, s0;
	[bflag:$0x2] =	sbarrier.arrive $0xFFFF  }
0x61: {  	[sflag:s0] =	ssyncadd.tile.s32 @!p0 $0x1;
	_ =	shalt  }
.Lfunc_end2:
_tile_overlayer_lowered:
.L_overlay_start_2:
0x62: {  	(tag) =	ssettag $0x2  }
0x63: {  	s0 =	rddreg [dreg:$0x0];
	s2 =	stileid.u32  }
0x64: {  	s1 =	rddreg [dreg:$0x1];
	p0 =	sne.s32 s2, $0x0  }
0x65: {  	s3 =	rddreg [dreg:$0x2];
	[bflag:$0x3] =	sbarrier.arrive $0xFFFF;
	s2 =	simm.s32 @!p0 $0x1C02  }
0x66: {  	[timem:s3], [sflag:s2] =	dma.local @!p0 [hbm:s0], s1  }
0x67: {  	s0 =	simm.s32 @!p0 $0x2  }
0x68: {  	_ =	swait.ge @!p0 [sflag:s0], s1  }
0x69: {  	s1 =	ssub.s32 @!p0 $0x0, s1;
	[sflag:s0] =	ssyncset.done @!p0 $0x0  }
0x6a: {  	[sflag:s0] =	ssyncadd.s32 @!p0 s1  }
0x6b: {  	[bflag:$0x3] =	sbarrier.arrive $0xFFFF  }
0x6c: {  	_ =	shalt  }

// kernel: kernel.18.cloned.1.call-start
scs
__scs_entry_jumppad:
0x0: {  	(pc) =	sbr.rel $0x88, $3  }
0x1: {  	(tag) =	ssettag $0x0;
	lr =	simm.s32 $0x1  }
0x2: {  	[smem:$0x3F9B] =	sst lr;
	_ =	strace $0xD0000000  }
0x3: {  	_ = 	snop  }
0x4: {  	_ = 	snop  }
0x5: {  	_ = 	snop  }
0x6: {  	_ = 	snop  }
0x7: {  	_ = 	snop  }
__scs_overlays_trampoline_lowered:
0x8: {  	[smem:$0x3FAA] =	sst s0  }
0x9: {  	[smem:$0x3FAB] =	sst s1  }
0xa: {  	[smem:$0x3FAC] =	sst s2  }
0xb: {  	[smem:$0x3FAD] =	sst s3  }
0xc: {  	[smem:$0x3FAE] =	sst s4  }
0xd: {  	[smem:$0x3FAF] =	sst s5  }
0xe: {  	[smem:$0x3FB0] =	sst s6  }
0xf: {  	[smem:$0x3FB1] =	sst s7  }
0x10: {  	[smem:$0x3FB2] =	sst s8  }
0x11: {  	[smem:$0x3FB3] =	sst s9;
	s0 =	simm.s32 @!p0 $0x0  }
0x12: {  	s1 =	sld [smem:$0x3F99];
	s0 =	simm.s32 @p0 $0x1  }
0x13: {  	[smem:$0x3FB4] =	sst s0;
	s0 =	simm.s32 @!p1 $0x0  }
0x14: {  	s2 =	sld [smem:$0x3F98];
	s0 =	simm.s32 @p1 $0x1  }
0x15: {  	[smem:$0x3FB5] =	sst s0;
	s0 =	simm.s32 @!p2 $0x0  }
0x16: {  	s3 =	sld [smem:$0x3FDB];
	s0 =	simm.s32 @p2 $0x1  }
0x17: {  	s4 =	simm.s32 $0x1BF5;
	[smem:$0x3FB7] =	sst s0  }
0x18: {  	s0 =	sld [smem:$0x3F9A];
	_ =	swait.ge [sflag:s4], $0x0  }
0x19: {  	s7 =	sld [smem:$0x3F9B]  }
0x1a: {  	s8 =	sadd.s32 $0xFFFFE003, lr  }
0x1b: {  	s9 =	sadd.s32 $0xFFFFFEF7, lr;
	s5 =	simm.s32 $0xFFFFFFFF;
	p2 =	slt.u32 s8, $0xFFFFF086  }
0x1c: {  	p1 =	slt.u32 s9, $0xF7A;
	s5 =	simm.s32 @!p2 $0x0  }
0x1d: {  	s5 =	simm.s32 @p1 $0x1;
	p0 =	seq.s32 s7, s2  }
0x1e: {  	s7 =	smul.u32 @!p0 $0xF7A, s2;
	p2 =	seq.s32 @!p0 s5, $0x0  }
0x1f: {  	s9 =	smul.u32 $0xF7A, s1;
	s8 =	simm.s32 @!p0 $0x1BF5;
	p2 =	por !p2, p0  }
0x20: {  	[sflag:s8] =	ssyncset.s32 @!p0 $0xFFFFF086;
	s6 =	sadd.s32 @!p0 s3, s7;
	s7 =	simm.s32 @!p0 $0x108  }
0x21: {  	s3 =	sadd.s32 s3, s9;
	s6 =	sadd.s32 @!p0 $0x88, s6;
	s7 =	simm.s32 @p2 $0x1082  }
0x22: {  	[simem:s7], [sflag:s8] =	dma.local @!p0 [hbm:s6], $0xF7A  }
0x23: {  	s9 =	sor.u32 $0xD0000000, s2;
	s6 =	simm.s32 $0x108;
	_ =	swait.ge @!p0 [sflag:s8], $0x0  }
0x24: {  	s3 =	sadd.s32 $0x88, s3;
	s6 =	simm.s32 @!p1 $0x1082;
	[sflag:s4] =	ssyncset.s32 $0xFFFFF086  }
0x25: {  	[simem:s6], [sflag:s4] =	dma.local [hbm:s3], $0xF7A  }
0x26: {  	[smem:$0x3F9B] =	sst s1;
	(tag) =	ssettag s2;
	_ =	strace s9  }
0x27: {  	s1 =	sld [smem:$0x3FAB]  }
0x28: {  	s2 =	sld [smem:$0x3FAC]  }
0x29: {  	s4 =	sld [smem:$0x3FAE]  }
0x2a: {  	p0 =	seq.s32 s5, $0x0;
	s5 =	sld [smem:$0x3FAF]  }
0x2b: {  	s6 =	sld [smem:$0x3FB0]  }
0x2c: {  	s7 =	sld [smem:$0x3FB1]  }
0x2d: {  	s3 =	simm.s32 $0x108;
	s8 =	sld [smem:$0x3FB2]  }
0x2e: {  	s3 =	simm.s32 @!p0 $0x1082;
	s9 =	sld [smem:$0x3FB3]  }
0x2f: {  	lr =	sadd.s32 s0, s3;
	s0 =	sld [smem:$0x3FAA]  }
0x30: {  	s3 =	sld [smem:$0x3FAD]  }
0x31: {  	[smem:$0x3FB6] =	sst s10  }
0x32: {  	s10 =	sld [smem:$0x3FB4];
	_ =	sdelay $0x3  }
0x33: {  	p0 =	seq.s32 s10, $0x1;
	s10 =	sld [smem:$0x3FB6];
	_ =	sdelay $0x3  }
0x34: {  	[smem:$0x3FB6] =	sst s10  }
0x35: {  	s10 =	sld [smem:$0x3FB5];
	_ =	sdelay $0x3  }
0x36: {  	p1 =	seq.s32 s10, $0x1;
	s10 =	sld [smem:$0x3FB6];
	_ =	sdelay $0x3  }
0x37: {  	[smem:$0x3FB6] =	sst s10  }
0x38: {  	s10 =	sld [smem:$0x3FB7]  }
0x39: {  	_ = 	snop;
	(pc) =	sbr.ind lr, $3  }
0x3a: {  	_ = 	snop  }
0x3b: {  	_ = 	snop  }
0x3c: {  	p2 =	seq.s32 s10, $0x1;
	s10 =	sld [smem:$0x3FB6]  }
0x3d: {  	_ =	shalt  }
0x3e: {  	_ =	shalt  }
0x3f: {  	_ =	shalt  }
0x40: {  	_ =	shalt  }
0x41: {  	_ =	shalt  }
0x42: {  	_ =	shalt  }
0x43: {  	_ =	shalt  }
0x44: {  	_ =	shalt  }
0x45: {  	_ =	shalt  }
0x46: {  	_ =	shalt  }
0x47: {  	_ =	shalt  }
0x48: {  	_ =	shalt  }
0x49: {  	_ =	shalt  }
0x4a: {  	_ =	shalt  }
0x4b: {  	_ =	shalt  }
0x4c: {  	_ =	shalt  }
0x4d: {  	_ =	shalt  }
0x4e: {  	_ =	shalt  }
0x4f: {  	_ =	shalt  }
0x50: {  	_ =	shalt  }
0x51: {  	_ =	shalt  }
0x52: {  	_ =	shalt  }
0x53: {  	_ =	shalt  }
0x54: {  	_ =	shalt  }
0x55: {  	_ =	shalt  }
0x56: {  	_ =	shalt  }
0x57: {  	_ =	shalt  }
0x58: {  	_ =	shalt  }
0x59: {  	_ =	shalt  }
0x5a: {  	_ =	shalt  }
0x5b: {  	_ =	shalt  }
0x5c: {  	_ =	shalt  }
0x5d: {  	_ =	shalt  }
0x5e: {  	_ =	shalt  }
0x5f: {  	_ =	shalt  }
0x60: {  	_ =	shalt  }
0x61: {  	_ =	shalt  }
0x62: {  	_ =	shalt  }
0x63: {  	_ =	shalt  }
0x64: {  	_ =	shalt  }
0x65: {  	_ =	shalt  }
0x66: {  	_ =	shalt  }
0x67: {  	_ =	shalt  }
0x68: {  	_ =	shalt  }
0x69: {  	_ =	shalt  }
0x6a: {  	_ =	shalt  }
0x6b: {  	_ =	shalt  }
0x6c: {  	_ =	shalt  }
0x6d: {  	_ =	shalt  }
0x6e: {  	_ =	shalt  }
0x6f: {  	_ =	shalt  }
0x70: {  	_ =	shalt  }
0x71: {  	_ =	shalt  }
0x72: {  	_ =	shalt  }
0x73: {  	_ =	shalt  }
0x74: {  	_ =	shalt  }
0x75: {  	_ =	shalt  }
0x76: {  	_ =	shalt  }
0x77: {  	_ =	shalt  }
0x78: {  	_ =	shalt  }
0x79: {  	_ =	shalt  }
0x7a: {  	_ =	shalt  }
0x7b: {  	_ =	shalt  }
0x7c: {  	_ =	shalt  }
0x7d: {  	_ =	shalt  }
0x7e: {  	_ =	shalt  }
0x7f: {  	_ =	shalt  }
0x80: {  	_ =	shalt  }
0x81: {  	_ =	shalt  }
0x82: {  	_ =	shalt  }
0x83: {  	_ =	shalt  }
0x84: {  	_ =	shalt  }
0x85: {  	_ =	shalt  }
0x86: {  	_ =	shalt  }
0x87: {  	_ =	shalt  }
.Lfunc_end0:
.L_simem_size_0:
called_computation.3_lowered:
.L_overlay_start_0:
0x88: {  	s2 =	sld [smem:$0x3FD9]  }
0x89: {  	s3 =	sld [smem:$0x3FFE];
	_ =	sdelay $0x1  }
0x8a: {  	s1 =	srdreg.scid  }
0x8b: {  	s0 =	sand.u32 $0x1, s1  }
0x8c: {  	s17 =	sshll.u32 s0, $0xA;
	s2 =	sadd.s32 s3, s2  }
0x8d: {  	s2 =	sadd.s32 s2, s17  }
0x8e: {  	[smem:$0x3FC2] =	sst s2  }
0x8f: {  	_ = 	snop  }
0x90: {  	s18 =	sld [smem:$0x3FD0];
	(tm) =	ssettm $0x1  }
0x91: {  	s19 =	sld [smem:$0x3FFB];
	_ =	sdelay $0x3  }
0x92: {  	_ =	strace s19  }
0x93: {  	s2 =	sld [smem:$0x3FFC];
	_ =	sdelay $0x3  }
0x94: {  	_ =	strace s2  }
0x95: {  	s2 =	sld [smem:$0x3FFD];
	_ =	sdelay $0x3  }
0x96: {  	_ =	strace s2  }
0x97: {  	_ =	strace $0x8FFFFFFF  }
0x98: {  	s20 =	sld [smem:$0x3FDB];
	_ =	sdelay $0x1  }
0x99: {  	s4 =	simm.s32 $_scs_section_size  }
0x9a: {  	s5 =	simm.s32 $_size__tile_overlayer_lowered;
	s6 =	simm.s32 $_tile_overlayer_lowered  }
0x9b: {  	s7 =	simm.s32 $0x1BFF;
	s21 =	sshll.u32 s6, $0x1;
	s4 =	sadd.s32 s4, s20  }
0x9c: {  	s22 =	simm.s32 $0x0;
	s5 =	sshll.u32 s5, $0x1;
	s6 =	sadd.s32 s21, s4  }
0x9d: {  	[timem:s22], [sflag:s7] =	dma.local [hbm:s6], s5  }
0x9e: {  	_ =	swait.ge [sflag:s7], s5  }
0x9f: {  	s5 =	ssub.s32 $0x0, s5;
	[sflag:s7] =	ssyncset.done $0x0  }
0xa0: {  	[sflag:s7] =	ssyncadd.s32 s5;
	_ =	sdelay $0x1  }
0xa1: {  	s23 =	simm.s32 $0x1B8B  }
0xa2: {  	_ =	swait.ge [sflag:s23], $0x1  }
0xa3: {  	[sflag:s23] =	ssyncset.done $0x0  }
0xa4: {  	[sflag:s23] =	ssyncadd.s32 $0xFFFFFFFF  }
0xa5: {  	s5 =	sld [smem:$0x0]  }
0xa6: {  	s6 =	sand.u32 $0xFFFFFFFE, s1  }
0xa7: {  	p0 =	sne.s32 s1, s6  }
0xa8: {  	s6 =	sshll.u32 @p0 s6, $0xE  }
0xa9: {  	s6 =	sadd.s32 @p0 $0x11B8D, s6;
	s7 =	sshll.u32 @p0 s5, $0x11  }
0xaa: {  	s6 =	sor.u32 @p0 s7, s6  }
0xab: {  	[sflag:s6] =	ssyncadd.remote.s32 @p0 $0x1;
	_ =	sdelay $0x1  }
0xac: {  	s6 =	simm.s32 @p0 $0x1B8D  }
0xad: {  	_ =	swait.eq @p0 [sflag:s6], $0x1  }
0xae: {  	[sflag:s6] =	ssyncadd.s32 @p0 $0xFFFFFFFF  }
0xaf: {  	s7 =	sshll.u32 @!p0 s1, $0xE  }
0xb0: {  	s7 =	sor.u32 @!p0 $0x4000, s7;
	s6 =	simm.s32 @!p0 $0x1B8D  }
0xb1: {  	s5 =	sshll.u32 @!p0 s5, $0x11;
	s7 =	sadd.s32 @!p0 $0x11B8D, s7;
	_ =	swait.eq @!p0 [sflag:s6], $0x1  }
0xb2: {  	s5 =	sor.u32 @!p0 s5, s7;
	[sflag:s6] =	ssyncadd.s32 @!p0 $0xFFFFFFFF  }
0xb3: {  	s25 =	simm.s32 $0x1B8E;
	s24 =	sld [smem:$0x3FFE];
	[sflag:s5] =	ssyncadd.remote.s32 @!p0 $0x1  }
0xb4: {  	s26 =	simm.s32 $execute0_lowered;
	[smem:$0x3FD2] =	sst s25  }
0xb5: {  	s6 =	sshll.u32 s26, $0x1;
	_ =	strace $0x8000004F;
	[dreg:$0x1] =	wrdreg $0xFFFFFFFF  }
0xb6: {  	s28 =	simm.s32 $_size_execute0_lowered;
	s4 =	sadd.s32 s4, s6;
	[dreg:$0x0] =	wrdreg $0x0  }
0xb7: {  	s6 =	sshll.u32 s28, $0x1;
	[dreg:$0x2] =	wrdreg s4  }
0xb8: {  	[dreg:$0x3] =	wrdreg s6  }
0xb9: {  	[dreg:$0x4] =	wrdreg $0xC0  }
0xba: {  	_ =	task [dreg:s22], $0x5FFFF  }
0xbb: {  	[dreg:$0x1] =	wrdreg $0xFFFFFFFF  }
0xbc: {  	[dreg:$0x0] =	wrdreg $0x60  }
0xbd: {  	[dreg:$0x2] =	wrdreg s24  }
0xbe: {  	[dreg:$0x3] =	wrdreg s18  }
0xbf: {  	[dreg:$0x4] =	wrdreg $0x90000  }
0xc0: {  	[dreg:$0x5] =	wrdreg $0xA  }
0xc1: {  	_ =	task.clear_ibuf [dreg:s22], $0x6FFFF;
	_ =	strace $0x9000004F  }
0xc2: {  	s29 =	simm.s32 $0xA;
	_ =	strace $0x80000051  }
0xc3: {  	_ =	swait.ge [sflag:s29], $0x1  }
0xc4: {  	[sflag:s29] =	ssyncadd.s32 $0xFFFFFFFF  }
0xc5: {  	_ =	strace $0x90000051  }
0xc6: {  	_ =	sfence  }
0xc7: {  	s30 =	sld [smem:$0x0];
	_ =	sdelay $0x2  }
0xc8: {  	s31 =	sshll.u32 s1, $0xD;
	s1 =	sshrl.u32 s1, $0x2  }
0xc9: {  	s4 =	sand.u32 $0x4000, s31;
	s1 =	sadd.s32 s1, s30  }
0xca: {  	s0 =	sor.u32 s4, s0;
	s1 =	sshll.u32 s1, $0x11  }
0xcb: {  	s0 =	sor.u32 s1, s0  }
0xcc: {  	s0 =	sadd.s32 $0x8F2B, s0  }
0xcd: {  	[sflag:s0] =	ssyncadd.remote.s32 $0x1  }
0xce: {  	_ =	sfence.sel $0xFFFF  }
0xcf: {  	[dreg:$0x0] =	wrdreg $0xFFFFFFFF;
	(pc) =	sbr.abs _section_cstart, $3  }
0xd0: {  	[dreg:$0x1] =	wrdreg $0xFFFFFFFF  }
0xd1: {  	_ =	task.clear_ibuf [dreg:s22], $0x2FFFF;
	_ =	strace $0x9FFFFFFF  }
0xd2: {  	(tm) =	ssettm $0x7FFFFFFF  }
0xd3: {  	_ =	shalt  }
tec
execute0_lowered:
.L_overlay_start_1:
0x0: {  	(tag) =	ssettag $0x1  }
0x1: {  	s5 =	rddreg [dreg:$0x0]  }
0x2: {  	s6 =	rddreg [dreg:$0x1]  }
0x3: {  	s1 =	rddreg [dreg:$0x2]  }
0x4: {  	s2 =	srdreg.scid;
	s0 =	rddreg [dreg:$0x3];
	s3 =	simm.s32 $0x0  }
0x5: {  	s14 =	simm.s32 $0x2;
	s15 =	simm.s32 $0x2800;
	s16 =	simm.s32 $0x5000  }
0x6: {  	s17 =	simm.s32 $0x80;
	s7 =	sand.u32 $0x1, s2;
	s2 =	stileid.u32  }
0x7: {  	s18 =	simm.s32 $0x1;
	[smem:$0x7FF] =	sst s3;
	s8 =	smul.u32 $0x140000, s7  }
0x8: {  	s4 =	sadd.s32 $0x1A00, s5;
	s9 =	sshll.u32 s7, $0x4;
	s10 =	smul.u32 $0x14000, s2  }
0x9: {  	_ =	strace $0x80000050;
	s7 =	ssub.s32 $0x2, s7;
	s11 =	smul.u32 $0x50000, s2  }
0xa: {  	s19 =	sshll.u32 s2, $0x6;
	s9 =	sor.u32 s2, s9;
	s30 =	sshrl.u32 s7, $0x1  }
0xb: {  	s19 =	sor.u32 $0x1C02, s19;
	s9 =	smul.u32 $0x500, s9;
	s8 =	sadd.s32 s10, s8  }
0xc: {  	s10 =	ssub.s32 s7, s30;
	s31 =	sshrl.u32 s11, $0x2;
	s8 =	sshrl.u32 s8, $0x3  }
0xd: {  	s7 =	sadd.s32 s31, s1;
	s12 =	sadd.s32 s9, s5;
	s8 =	sadd.s32 s8, s5  }
0xe: {  	s5 =	sadd.s32 s6, s9;
	s9 =	smax.u32 s10, $0x1;
	s10 =	sadd.s32 $0x4000, s7  }
0xf: {  	s11 =	sadd.s32 $0x8000, s7;
	s13 =	sadd.s32 $0x10000, s7;
	s20 =	sshrl.u32 s7, $0x3  }
0x10: {  	v0 =	vimm.f32 $0.0e+00;
	s6 =	sadd.s32 $0x29A00, s12;
	s8 =	sadd.s32 $0x33A00, s8;
	s12 =	sadd.s32 $0xC000, s7  }
.LBB2_1:
0x11: {  	s21 =	simm.s32 $0x0;
	s22 =	simm.s32 $0x200  }
.LBB2_2:
0x12: {  	p0 =	sne.s32 s22, $0xFE00;
	[tilespmem:s21+$0x5070] =	vst v0  }
0x13: {  	[tilespmem:s21+$0x5000] =	vst v0  }
0x14: {  	[tilespmem:s21+$0x5010] =	vst v0  }
.Ltmp0:
0x15: {  	[tilespmem:s21+$0x5020] =	vst v0;
	(pc) =	sbr.rel @p0 .LBB2_2-.Ltmp0, $4  }
0x16: {  	[tilespmem:s21+$0x5030] =	vst v0  }
0x17: {  	[tilespmem:s21+$0x5040] =	vst v0  }
0x18: {  	[tilespmem:s21+$0x5050] =	vst v0  }
0x19: {  	[tilespmem:s21+$0x5060] =	vst v0;
	s21 =	sshra.s32 s22, $0x2;
	s22 =	sadd.s32 $0x200, s22  }
0x1a: {  	[tilespmem:s21+$0x5070] =	vst v0  }
0x1b: {  	[tilespmem:s21+$0x5000] =	vst v0  }
0x1c: {  	[tilespmem:s21+$0x5010] =	vst v0  }
0x1d: {  	[tilespmem:s21+$0x5020] =	vst v0  }
0x1e: {  	[tilespmem:s21+$0x5030] =	vst v0  }
0x1f: {  	[tilespmem:s21+$0x5040] =	vst v0  }
0x20: {  	[tilespmem:s21+$0x5050] =	vst v0  }
0x21: {  	[tilespmem:s21+$0x5060] =	vst v0;
	s29 =	simm.s32 $0x0  }
0x22: {  	[tilespmem:s29], [sflag:$0x2] =	stream.linear.gather [hbm4b:s5+s29], $0x2800, $0x38;
	[tilespmem:$0x1D000] =	vst v63  }
0x23: {  	_ =	swait.ge [sflag:s14], $0x2800  }
0x24: {  	[sflag:s14] =	ssyncset.done $0x0  }
0x25: {  	[sflag:s14] =	ssyncadd.s32 $0xFFFFD800  }
0x26: {  	[tilespmem:s15], [sflag:$0x2] =	stream.linear.gather [hbm4b:s6+s29], $0x2800, $0x38;
	[tilespmem:$0x1D000] =	vst v63  }
0x27: {  	_ =	swait.ge [sflag:s14], $0x2800  }
0x28: {  	[sflag:s14] =	ssyncset.done $0x0  }
0x29: {  	[sflag:s14] =	ssyncadd.s32 $0xFFFFD800  }
0x2a: {  	[spmem:s7] =	stream.linear.scatter [tilespmem:s16], [sflag:$0x2], $0x4000, $0x38;
	[tilespmem:$0x1D000] =	vst v63  }
0x2b: {  	_ =	swait.ge [sflag:s14], $0x4000  }
0x2c: {  	[sflag:s14] =	ssyncset.done $0x0  }
0x2d: {  	[sflag:s14] =	ssyncadd.s32 $0xFFFFC000  }
0x2e: {  	[spmem:s10] =	stream.linear.scatter [tilespmem:s16], [sflag:$0x2], $0x4000, $0x38;
	[tilespmem:$0x1D000] =	vst v63  }
0x2f: {  	_ =	swait.ge [sflag:s14], $0x4000  }
0x30: {  	[sflag:s14] =	ssyncset.done $0x0  }
0x31: {  	[sflag:s14] =	ssyncadd.s32 $0xFFFFC000  }
0x32: {  	[spmem:s11] =	stream.linear.scatter [tilespmem:s16], [sflag:$0x2], $0x4000, $0x38;
	[tilespmem:$0x1D000] =	vst v63  }
0x33: {  	_ =	swait.ge [sflag:s14], $0x4000  }
0x34: {  	[sflag:s14] =	ssyncset.done $0x0  }
0x35: {  	[sflag:s14] =	ssyncadd.s32 $0xFFFFC000  }
0x36: {  	[spmem:s12] =	stream.linear.scatter [tilespmem:s16], [sflag:$0x2], $0x4000, $0x38;
	[tilespmem:$0x1D000] =	vst v63  }
0x37: {  	_ =	swait.ge [sflag:s14], $0x4000  }
0x38: {  	[sflag:s14] =	ssyncset.done $0x0  }
0x39: {  	[sflag:s14] =	ssyncadd.s32 $0xFFFFC000  }
0x3a: {  	[spmem:s13] =	stream.linear.scatter [tilespmem:s16], [sflag:$0x2], $0x4000, $0x38;
	[tilespmem:$0x1D000] =	vst v63  }
0x3b: {  	_ =	swait.ge [sflag:s14], $0x4000  }
0x3c: {  	[sflag:s14] =	ssyncset.done $0x0  }
0x3d: {  	[sflag:s14] =	ssyncadd.s32 $0xFFFFC000  }
0x3e: {  	s30 =	simm.s32 $0x0;
	[bflag:$0x0] =	sbarrier.arrive $0xFFFF  }
0x3f: {  	[tilespmem:s16], [sflag:$0x1] =	stream.indirect.gather [hbm4b:s4+s17], $0x80, s30, s17, $0xb8;
	[tilespmem:$0x1D000] =	vst v63  }
0x40: {  	_ =	swait.ge [sflag:s18], $0x4000  }
0x41: {  	[sflag:s18] =	ssyncset.done $0x0  }
0x42: {  	s31 =	simm.s32 $0x2800;
	[sflag:s18] =	ssyncadd.s32 $0xFFFFC000  }
0x43: {  	[spmem:s1] =	stream.indirect.scatter.add.f32 [tilespmem:s16], [sflag:$0x2], $0x80, s31, s17, $0xb8;
	[tilespmem:$0x1D000] =	vst v63  }
0x44: {  	_ =	swait.ge [sflag:s14], $0x4000  }
0x45: {  	s21 =	simm.s32 $0x200;
	s22 =	simm.s32 $0x400;
	[sflag:s14] =	ssyncset.done $0x0  }
.LBB2_4:
0x46: {  	s23 =	sshra.s32 s21, $0x2  }
0x47: {  	[sflag:s14] =	ssyncadd.s32 $0xFFFFC000;
	s21 =	smov.u32 s22;
	s24 =	sadd.s32 $0x200, s22  }
0x48: {  	[tilespmem:s16], [sflag:$0x1] =	stream.indirect.gather [hbm4b:s4+s17], $0x80, s23, s17, $0xb8;
	[tilespmem:$0x1D000] =	vst v63  }
0x49: {  	p0 =	sne.s32 s22, $0x9E00;
	_ =	swait.ge [sflag:s18], $0x4000  }
.Ltmp1:
0x4a: {  	[sflag:s18] =	ssyncset.done $0x0;
	(pc) =	sbr.rel @p0 .LBB2_4-.Ltmp1, $4  }
0x4b: {  	s22 =	sadd.s32 $0x2800, s23;
	[sflag:s18] =	ssyncadd.s32 $0xFFFFC000  }
0x4c: {  	[spmem:s1] =	stream.indirect.scatter.add.f32 [tilespmem:s16], [sflag:$0x2], $0x80, s22, s17, $0xb8;
	[tilespmem:$0x1D000] =	vst v63  }
0x4d: {  	_ =	swait.ge [sflag:s14], $0x4000  }
0x4e: {  	s22 =	smov.u32 s24;
	[sflag:s14] =	ssyncset.done $0x0  }
0x4f: {  	s21 =	sshra.s32 s21, $0x2;
	[sflag:s14] =	ssyncadd.s32 $0xFFFFC000  }
0x50: {  	[tilespmem:s16], [sflag:$0x1] =	stream.indirect.gather [hbm4b:s4+s17], $0x80, s21, s17, $0xb8;
	[tilespmem:$0x1D000] =	vst v63  }
0x51: {  	_ =	swait.ge [sflag:s18], $0x4000  }
0x52: {  	[sflag:s18] =	ssyncset.done $0x0  }
0x53: {  	s21 =	sadd.s32 $0x2800, s21;
	[sflag:s18] =	ssyncadd.s32 $0xFFFFC000  }
0x54: {  	[spmem:s1] =	stream.indirect.scatter.add.f32 [tilespmem:s16], [sflag:$0x2], $0x80, s21, s17, $0xb8;
	[tilespmem:$0x1D000] =	vst v63  }
0x55: {  	_ =	swait.ge [sflag:s14], $0x4000  }
0x56: {  	s3 =	sadd.s32 $0x1, s3;
	[sflag:s14] =	ssyncset.done $0x0  }
0x57: {  	p0 =	sne.s32 s3, s9;
	[sflag:s14] =	ssyncadd.s32 $0xFFFFC000  }
.Ltmp2:
0x58: {  	[bflag:$0x0] =	sbarrier.arrive $0xFFFF;
	(pc) =	sbr.rel @p0 .LBB2_1-.Ltmp2, $4  }
0x59: {  	[hbm:s8], [sflag:s19] =	dma.local [spmem:s20], $0x2800  }
0x5a: {  	_ =	swait.ge [sflag:s14], $0x2800  }
0x5b: {  	[sflag:s14] =	ssyncset.done $0x0  }
0x5c: {  	[sflag:s14] =	ssyncadd.s32 $0xFFFFD800  }
0x5d: {  	_ =	sfence.sel $0x180000  }
0x5e: {  	[bflag:$0x0] =	sbarrier.arrive $0xFFFF  }
0x5f: {  	p0 =	sne.s32 s2, $0x0;
	_ =	strace $0x90000050  }
0x60: {  	s0 =	sadd.s32 @!p0 $0x100000, s0;
	[bflag:$0x2] =	sbarrier.arrive $0xFFFF  }
0x61: {  	[sflag:s0] =	ssyncadd.tile.s32 @!p0 $0x1;
	_ =	shalt  }
.Lfunc_end2:
_tile_overlayer_lowered:
.L_overlay_start_2:
0x62: {  	(tag) =	ssettag $0x2  }
0x63: {  	s0 =	rddreg [dreg:$0x0];
	s2 =	stileid.u32  }
0x64: {  	s1 =	rddreg [dreg:$0x1];
	p0 =	sne.s32 s2, $0x0  }
0x65: {  	s3 =	rddreg [dreg:$0x2];
	[bflag:$0x3] =	sbarrier.arrive $0xFFFF;
	s2 =	simm.s32 @!p0 $0x1C02  }
0x66: {  	[timem:s3], [sflag:s2] =	dma.local @!p0 [hbm:s0], s1  }
0x67: {  	s0 =	simm.s32 @!p0 $0x2  }
0x68: {  	_ =	swait.ge @!p0 [sflag:s0], s1  }
0x69: {  	s1 =	ssub.s32 @!p0 $0x0, s1;
	[sflag:s0] =	ssyncset.done @!p0 $0x0  }
0x6a: {  	[sflag:s0] =	ssyncadd.s32 @!p0 s1  }
0x6b: {  	[bflag:$0x3] =	sbarrier.arrive $0xFFFF  }
0x6c: {  	_ =	shalt  }

// kernel: kernel.9.cloned.1.call-start
scs
__scs_entry_jumppad:
0x0: {  	(pc) =	sbr.rel $0x88, $3  }
0x1: {  	(tag) =	ssettag $0x0;
	lr =	simm.s32 $0x1  }
0x2: {  	[smem:$0x3F9B] =	sst lr;
	_ =	strace $0xD0000000  }
0x3: {  	_ = 	snop  }
0x4: {  	_ = 	snop  }
0x5: {  	_ = 	snop  }
0x6: {  	_ = 	snop  }
0x7: {  	_ = 	snop  }
__scs_overlays_trampoline_lowered:
0x8: {  	[smem:$0x3FAA] =	sst s0  }
0x9: {  	[smem:$0x3FAB] =	sst s1  }
0xa: {  	[smem:$0x3FAC] =	sst s2  }
0xb: {  	[smem:$0x3FAD] =	sst s3  }
0xc: {  	[smem:$0x3FAE] =	sst s4  }
0xd: {  	[smem:$0x3FAF] =	sst s5  }
0xe: {  	[smem:$0x3FB0] =	sst s6  }
0xf: {  	[smem:$0x3FB1] =	sst s7  }
0x10: {  	[smem:$0x3FB2] =	sst s8  }
0x11: {  	[smem:$0x3FB3] =	sst s9;
	s0 =	simm.s32 @!p0 $0x0  }
0x12: {  	s1 =	sld [smem:$0x3F99];
	s0 =	simm.s32 @p0 $0x1  }
0x13: {  	[smem:$0x3FB4] =	sst s0;
	s0 =	simm.s32 @!p1 $0x0  }
0x14: {  	s2 =	sld [smem:$0x3F98];
	s0 =	simm.s32 @p1 $0x1  }
0x15: {  	[smem:$0x3FB5] =	sst s0;
	s0 =	simm.s32 @!p2 $0x0  }
0x16: {  	s3 =	sld [smem:$0x3FDB];
	s0 =	simm.s32 @p2 $0x1  }
0x17: {  	s4 =	simm.s32 $0x1BF5;
	[smem:$0x3FB7] =	sst s0  }
0x18: {  	s0 =	sld [smem:$0x3F9A];
	_ =	swait.ge [sflag:s4], $0x0  }
0x19: {  	s7 =	sld [smem:$0x3F9B]  }
0x1a: {  	s8 =	sadd.s32 $0xFFFFE003, lr  }
0x1b: {  	s9 =	sadd.s32 $0xFFFFFEF7, lr;
	s5 =	simm.s32 $0xFFFFFFFF;
	p2 =	slt.u32 s8, $0xFFFFF086  }
0x1c: {  	p1 =	slt.u32 s9, $0xF7A;
	s5 =	simm.s32 @!p2 $0x0  }
0x1d: {  	s5 =	simm.s32 @p1 $0x1;
	p0 =	seq.s32 s7, s2  }
0x1e: {  	s7 =	smul.u32 @!p0 $0xF7A, s2;
	p2 =	seq.s32 @!p0 s5, $0x0  }
0x1f: {  	s9 =	smul.u32 $0xF7A, s1;
	s8 =	simm.s32 @!p0 $0x1BF5;
	p2 =	por !p2, p0  }
0x20: {  	[sflag:s8] =	ssyncset.s32 @!p0 $0xFFFFF086;
	s6 =	sadd.s32 @!p0 s3, s7;
	s7 =	simm.s32 @!p0 $0x108  }
0x21: {  	s3 =	sadd.s32 s3, s9;
	s6 =	sadd.s32 @!p0 $0x88, s6;
	s7 =	simm.s32 @p2 $0x1082  }
0x22: {  	[simem:s7], [sflag:s8] =	dma.local @!p0 [hbm:s6], $0xF7A  }
0x23: {  	s9 =	sor.u32 $0xD0000000, s2;
	s6 =	simm.s32 $0x108;
	_ =	swait.ge @!p0 [sflag:s8], $0x0  }
0x24: {  	s3 =	sadd.s32 $0x88, s3;
	s6 =	simm.s32 @!p1 $0x1082;
	[sflag:s4] =	ssyncset.s32 $0xFFFFF086  }
0x25: {  	[simem:s6], [sflag:s4] =	dma.local [hbm:s3], $0xF7A  }
0x26: {  	[smem:$0x3F9B] =	sst s1;
	(tag) =	ssettag s2;
	_ =	strace s9  }
0x27: {  	s1 =	sld [smem:$0x3FAB]  }
0x28: {  	s2 =	sld [smem:$0x3FAC]  }
0x29: {  	s4 =	sld [smem:$0x3FAE]  }
0x2a: {  	p0 =	seq.s32 s5, $0x0;
	s5 =	sld [smem:$0x3FAF]  }
0x2b: {  	s6 =	sld [smem:$0x3FB0]  }
0x2c: {  	s7 =	sld [smem:$0x3FB1]  }
0x2d: {  	s3 =	simm.s32 $0x108;
	s8 =	sld [smem:$0x3FB2]  }
0x2e: {  	s3 =	simm.s32 @!p0 $0x1082;
	s9 =	sld [smem:$0x3FB3]  }
0x2f: {  	lr =	sadd.s32 s0, s3;
	s0 =	sld [smem:$0x3FAA]  }
0x30: {  	s3 =	sld [smem:$0x3FAD]  }
0x31: {  	[smem:$0x3FB6] =	sst s10  }
0x32: {  	s10 =	sld [smem:$0x3FB4];
	_ =	sdelay $0x3  }
0x33: {  	p0 =	seq.s32 s10, $0x1;
	s10 =	sld [smem:$0x3FB6];
	_ =	sdelay $0x3  }
0x34: {  	[smem:$0x3FB6] =	sst s10  }
0x35: {  	s10 =	sld [smem:$0x3FB5];
	_ =	sdelay $0x3  }
0x36: {  	p1 =	seq.s32 s10, $0x1;
	s10 =	sld [smem:$0x3FB6];
	_ =	sdelay $0x3  }
0x37: {  	[smem:$0x3FB6] =	sst s10  }
0x38: {  	s10 =	sld [smem:$0x3FB7]  }
0x39: {  	_ = 	snop;
	(pc) =	sbr.ind lr, $3  }
0x3a: {  	_ = 	snop  }
0x3b: {  	_ = 	snop  }
0x3c: {  	p2 =	seq.s32 s10, $0x1;
	s10 =	sld [smem:$0x3FB6]  }
0x3d: {  	_ =	shalt  }
0x3e: {  	_ =	shalt  }
0x3f: {  	_ =	shalt  }
0x40: {  	_ =	shalt  }
0x41: {  	_ =	shalt  }
0x42: {  	_ =	shalt  }
0x43: {  	_ =	shalt  }
0x44: {  	_ =	shalt  }
0x45: {  	_ =	shalt  }
0x46: {  	_ =	shalt  }
0x47: {  	_ =	shalt  }
0x48: {  	_ =	shalt  }
0x49: {  	_ =	shalt  }
0x4a: {  	_ =	shalt  }
0x4b: {  	_ =	shalt  }
0x4c: {  	_ =	shalt  }
0x4d: {  	_ =	shalt  }
0x4e: {  	_ =	shalt  }
0x4f: {  	_ =	shalt  }
0x50: {  	_ =	shalt  }
0x51: {  	_ =	shalt  }
0x52: {  	_ =	shalt  }
0x53: {  	_ =	shalt  }
0x54: {  	_ =	shalt  }
0x55: {  	_ =	shalt  }
0x56: {  	_ =	shalt  }
0x57: {  	_ =	shalt  }
0x58: {  	_ =	shalt  }
0x59: {  	_ =	shalt  }
0x5a: {  	_ =	shalt  }
0x5b: {  	_ =	shalt  }
0x5c: {  	_ =	shalt  }
0x5d: {  	_ =	shalt  }
0x5e: {  	_ =	shalt  }
0x5f: {  	_ =	shalt  }
0x60: {  	_ =	shalt  }
0x61: {  	_ =	shalt  }
0x62: {  	_ =	shalt  }
0x63: {  	_ =	shalt  }
0x64: {  	_ =	shalt  }
0x65: {  	_ =	shalt  }
0x66: {  	_ =	shalt  }
0x67: {  	_ =	shalt  }
0x68: {  	_ =	shalt  }
0x69: {  	_ =	shalt  }
0x6a: {  	_ =	shalt  }
0x6b: {  	_ =	shalt  }
0x6c: {  	_ =	shalt  }
0x6d: {  	_ =	shalt  }
0x6e: {  	_ =	shalt  }
0x6f: {  	_ =	shalt  }
0x70: {  	_ =	shalt  }
0x71: {  	_ =	shalt  }
0x72: {  	_ =	shalt  }
0x73: {  	_ =	shalt  }
0x74: {  	_ =	shalt  }
0x75: {  	_ =	shalt  }
0x76: {  	_ =	shalt  }
0x77: {  	_ =	shalt  }
0x78: {  	_ =	shalt  }
0x79: {  	_ =	shalt  }
0x7a: {  	_ =	shalt  }
0x7b: {  	_ =	shalt  }
0x7c: {  	_ =	shalt  }
0x7d: {  	_ =	shalt  }
0x7e: {  	_ =	shalt  }
0x7f: {  	_ =	shalt  }
0x80: {  	_ =	shalt  }
0x81: {  	_ =	shalt  }
0x82: {  	_ =	shalt  }
0x83: {  	_ =	shalt  }
0x84: {  	_ =	shalt  }
0x85: {  	_ =	shalt  }
0x86: {  	_ =	shalt  }
0x87: {  	_ =	shalt  }
.Lfunc_end0:
.L_simem_size_0:
called_computation_lowered:
.L_overlay_start_0:
0x88: {  	s2 =	sld [smem:$0x3FD9]  }
0x89: {  	s3 =	sld [smem:$0x3FFE];
	_ =	sdelay $0x1  }
0x8a: {  	s1 =	srdreg.scid  }
0x8b: {  	s0 =	sand.u32 $0x1, s1  }
0x8c: {  	s17 =	sshll.u32 s0, $0xA;
	s2 =	sadd.s32 s3, s2  }
0x8d: {  	s2 =	sadd.s32 s2, s17  }
0x8e: {  	[smem:$0x3FC2] =	sst s2  }
0x8f: {  	_ = 	snop  }
0x90: {  	(tm) =	ssettm $0x1  }
0x91: {  	s18 =	sld [smem:$0x3FFB];
	_ =	sdelay $0x3  }
0x92: {  	_ =	strace s18  }
0x93: {  	s2 =	sld [smem:$0x3FFC];
	_ =	sdelay $0x3  }
0x94: {  	_ =	strace s2  }
0x95: {  	s2 =	sld [smem:$0x3FFD];
	_ =	sdelay $0x3  }
0x96: {  	_ =	strace s2  }
0x97: {  	_ =	strace $0x8FFFFFFF  }
0x98: {  	s19 =	sld [smem:$0x3FDB];
	_ =	sdelay $0x1  }
0x99: {  	s20 =	simm.s32 $_scs_section_size  }
0x9a: {  	s4 =	simm.s32 $_size__tile_overlayer_lowered;
	s5 =	simm.s32 $_tile_overlayer_lowered  }
0x9b: {  	s6 =	simm.s32 $0x1BFF;
	s21 =	sshll.u32 s5, $0x1;
	s3 =	sadd.s32 s20, s19  }
0x9c: {  	s22 =	simm.s32 $0x0;
	s4 =	sshll.u32 s4, $0x1;
	s5 =	sadd.s32 s21, s3  }
0x9d: {  	[timem:s22], [sflag:s6] =	dma.local [hbm:s5], s4  }
0x9e: {  	_ =	swait.ge [sflag:s6], s4  }
0x9f: {  	s4 =	ssub.s32 $0x0, s4;
	[sflag:s6] =	ssyncset.done $0x0  }
0xa0: {  	[sflag:s6] =	ssyncadd.s32 s4;
	_ =	sdelay $0x1  }
0xa1: {  	s23 =	simm.s32 $0x1B8B  }
0xa2: {  	_ =	swait.ge [sflag:s23], $0x1  }
0xa3: {  	[sflag:s23] =	ssyncset.done $0x0  }
0xa4: {  	[sflag:s23] =	ssyncadd.s32 $0xFFFFFFFF  }
0xa5: {  	s4 =	sld [smem:$0x0]  }
0xa6: {  	s5 =	sand.u32 $0xFFFFFFFE, s1  }
0xa7: {  	p0 =	sne.s32 s1, s5  }
0xa8: {  	s5 =	sshll.u32 @p0 s5, $0xE  }
0xa9: {  	s5 =	sadd.s32 @p0 $0x11B8D, s5;
	s6 =	sshll.u32 @p0 s4, $0x11  }
0xaa: {  	s5 =	sor.u32 @p0 s6, s5  }
0xab: {  	[sflag:s5] =	ssyncadd.remote.s32 @p0 $0x1;
	_ =	sdelay $0x1  }
0xac: {  	s5 =	simm.s32 @p0 $0x1B8D  }
0xad: {  	_ =	swait.eq @p0 [sflag:s5], $0x1  }
0xae: {  	[sflag:s5] =	ssyncadd.s32 @p0 $0xFFFFFFFF  }
0xaf: {  	s6 =	sshll.u32 @!p0 s1, $0xE  }
0xb0: {  	s6 =	sor.u32 @!p0 $0x4000, s6;
	s5 =	simm.s32 @!p0 $0x1B8D  }
0xb1: {  	s4 =	sshll.u32 @!p0 s4, $0x11;
	s6 =	sadd.s32 @!p0 $0x11B8D, s6;
	_ =	swait.eq @!p0 [sflag:s5], $0x1  }
0xb2: {  	s4 =	sor.u32 @!p0 s4, s6;
	[sflag:s5] =	ssyncadd.s32 @!p0 $0xFFFFFFFF  }
0xb3: {  	s25 =	simm.s32 $0x1B8E;
	s24 =	sld [smem:$0x3FFE];
	[sflag:s4] =	ssyncadd.remote.s32 @!p0 $0x1  }
0xb4: {  	s26 =	simm.s32 $execute0_lowered;
	[smem:$0x3FD2] =	sst s25  }
0xb5: {  	s5 =	sshll.u32 s26, $0x1;
	_ =	strace $0x8000004C;
	[dreg:$0x1] =	wrdreg $0xFFFFFFFF  }
0xb6: {  	s28 =	simm.s32 $_size_execute0_lowered;
	s3 =	sadd.s32 s3, s5;
	[dreg:$0x0] =	wrdreg $0x0  }
0xb7: {  	s5 =	sshll.u32 s28, $0x1;
	[dreg:$0x2] =	wrdreg s3  }
0xb8: {  	[dreg:$0x3] =	wrdreg s5  }
0xb9: {  	[dreg:$0x4] =	wrdreg $0xC0  }
0xba: {  	_ =	task [dreg:s22], $0x5FFFF  }
0xbb: {  	[dreg:$0x1] =	wrdreg $0xFFFFFFFF  }
0xbc: {  	[dreg:$0x0] =	wrdreg $0x60  }
0xbd: {  	[dreg:$0x2] =	wrdreg s24  }
0xbe: {  	[dreg:$0x3] =	wrdreg $0xA8000  }
0xbf: {  	[dreg:$0x4] =	wrdreg $0x9  }
0xc0: {  	_ =	task.clear_ibuf [dreg:s22], $0x5FFFF;
	_ =	strace $0x9000004C  }
0xc1: {  	s29 =	simm.s32 $0x9;
	_ =	strace $0x8000004E  }
0xc2: {  	_ =	swait.ge [sflag:s29], $0x1  }
0xc3: {  	[sflag:s29] =	ssyncadd.s32 $0xFFFFFFFF  }
0xc4: {  	_ =	strace $0x9000004E  }
0xc5: {  	_ =	sfence  }
0xc6: {  	s30 =	sld [smem:$0x0];
	_ =	sdelay $0x2  }
0xc7: {  	s31 =	sshll.u32 s1, $0xD;
	s1 =	sshrl.u32 s1, $0x2  }
0xc8: {  	s4 =	sand.u32 $0x4000, s31;
	s1 =	sadd.s32 s1, s30  }
0xc9: {  	s0 =	sor.u32 s4, s0;
	s1 =	sshll.u32 s1, $0x11  }
0xca: {  	s0 =	sor.u32 s1, s0  }
0xcb: {  	s0 =	sadd.s32 $0x8F2B, s0  }
0xcc: {  	[sflag:s0] =	ssyncadd.remote.s32 $0x1  }
0xcd: {  	_ =	sfence.sel $0xFFFF  }
0xce: {  	[dreg:$0x0] =	wrdreg $0xFFFFFFFF;
	(pc) =	sbr.abs _section_cstart, $3  }
0xcf: {  	[dreg:$0x1] =	wrdreg $0xFFFFFFFF  }
0xd0: {  	_ =	task.clear_ibuf [dreg:s22], $0x2FFFF;
	_ =	strace $0x9FFFFFFF  }
0xd1: {  	(tm) =	ssettm $0x7FFFFFFF  }
tec
execute0_lowered:
.L_overlay_start_1:
0x0: {  	(tag) =	ssettag $0x1  }
0x1: {  	s0 =	srdreg.scid;
	s6 =	rddreg [dreg:$0x0]  }
0x2: {  	s2 =	rddreg [dreg:$0x1];
	s3 =	simm.s32 $0x0;
	s14 =	simm.s32 $0x1  }
0x3: {  	s15 =	simm.s32 $0x2800;
	s16 =	simm.s32 $0x6800;
	s5 =	sand.u32 $0x1, s0  }
0x4: {  	s17 =	simm.s32 $0x80;
	s0 =	stileid.u32;
	s7 =	smul.u32 $0x140000, s5  }
0x5: {  	s20 =	simm.s32 $0x0;
	[smem:$0x7FF] =	sst s3;
	s8 =	smul.u32 $0x14000, s0  }
0x6: {  	s1 =	sshll.u32 s5, $0x4;
	s29 =	ssub.s32 $0x2, s5;
	s10 =	smul.u32 $0x50000, s0  }
0x7: {  	s5 =	sadd.s32 $0x83A00, s6;
	s18 =	sshll.u32 s0, $0x6;
	s1 =	sor.u32 s0, s1  }
0x8: {  	s30 =	sshrl.u32 s29, $0x1;
	s18 =	sor.u32 $0x1C01, s18;
	s4 =	smul.u32 $0x500, s1  }
0x9: {  	s1 =	rddreg [dreg:$0x2];
	_ =	strace $0x8000004D;
	s7 =	sadd.s32 s8, s7  }
0xa: {  	s12 =	ssub.s32 s29, s30;
	s31 =	sshrl.u32 s10, $0x2;
	s7 =	sshrl.u32 s7, $0x3  }
0xb: {  	s9 =	sadd.s32 s4, s6;
	s4 =	sadd.s32 $0x84200, s6;
	s11 =	sadd.s32 s7, s6  }
0xc: {  	s7 =	sadd.s32 s31, s2;
	s6 =	sadd.s32 $0x29A00, s9;
	s8 =	sadd.s32 $0xD4A00, s11  }
0xd: {  	s9 =	smax.u32 s12, $0x1;
	s10 =	sadd.s32 $0x4000, s7;
	s11 =	sadd.s32 $0x8000, s7  }
0xe: {  	s12 =	sadd.s32 $0xC000, s7;
	s13 =	sadd.s32 $0x10000, s7;
	s19 =	sshrl.u32 s7, $0x3  }
.LBB2_1:
0xf: {  	[tilespmem:s3], [sflag:$0x1] =	stream.linear.gather [hbm4b:s6+s3], $0x2800, $0x38;
	[tilespmem:$0x1E800] =	vst v63  }
0x10: {  	_ =	swait.ge [sflag:s14], $0x2800  }
0x11: {  	[sflag:s14] =	ssyncset.done $0x0  }
0x12: {  	[sflag:s14] =	ssyncadd.s32 $0xFFFFD800  }
0x13: {  	[tilespmem:s15], [sflag:$0x1] =	stream.linear.gather [hbm4b:s4+s3], $0x4000, $0x38;
	[tilespmem:$0x1E800] =	vst v63  }
0x14: {  	_ =	swait.ge [sflag:s14], $0x4000  }
0x15: {  	[sflag:s14] =	ssyncset.done $0x0  }
0x16: {  	[sflag:s14] =	ssyncadd.s32 $0xFFFFC000  }
0x17: {  	[tilespmem:s16], [sflag:$0x1] =	stream.linear.gather [hbm4b:s5+s3], $0x4000, $0x38;
	[tilespmem:$0x1E800] =	vst v63  }
0x18: {  	_ =	swait.ge [sflag:s14], $0x4000  }
0x19: {  	[sflag:s14] =	ssyncset.done $0x0  }
0x1a: {  	[sflag:s14] =	ssyncadd.s32 $0xFFFFC000  }
0x1b: {  	[spmem:s7] =	stream.linear.scatter [tilespmem:s16], [sflag:$0x1], $0x4000, $0x38;
	[tilespmem:$0x1E800] =	vst v63  }
0x1c: {  	_ =	swait.ge [sflag:s14], $0x4000  }
0x1d: {  	[sflag:s14] =	ssyncset.done $0x0  }
0x1e: {  	[sflag:s14] =	ssyncadd.s32 $0xFFFFC000  }
0x1f: {  	[spmem:s10] =	stream.linear.scatter [tilespmem:s16], [sflag:$0x1], $0x4000, $0x38;
	[tilespmem:$0x1E800] =	vst v63  }
0x20: {  	_ =	swait.ge [sflag:s14], $0x4000  }
0x21: {  	[sflag:s14] =	ssyncset.done $0x0  }
0x22: {  	[sflag:s14] =	ssyncadd.s32 $0xFFFFC000  }
0x23: {  	[spmem:s11] =	stream.linear.scatter [tilespmem:s16], [sflag:$0x1], $0x4000, $0x38;
	[tilespmem:$0x1E800] =	vst v63  }
0x24: {  	_ =	swait.ge [sflag:s14], $0x4000  }
0x25: {  	[sflag:s14] =	ssyncset.done $0x0  }
0x26: {  	[sflag:s14] =	ssyncadd.s32 $0xFFFFC000  }
0x27: {  	[spmem:s12] =	stream.linear.scatter [tilespmem:s16], [sflag:$0x1], $0x4000, $0x38;
	[tilespmem:$0x1E800] =	vst v63  }
0x28: {  	_ =	swait.ge [sflag:s14], $0x4000  }
0x29: {  	[sflag:s14] =	ssyncset.done $0x0  }
0x2a: {  	[sflag:s14] =	ssyncadd.s32 $0xFFFFC000  }
0x2b: {  	[spmem:s13] =	stream.linear.scatter [tilespmem:s16], [sflag:$0x1], $0x4000, $0x38;
	[tilespmem:$0x1E800] =	vst v63  }
0x2c: {  	_ =	swait.ge [sflag:s14], $0x4000  }
0x2d: {  	[sflag:s14] =	ssyncset.done $0x0  }
0x2e: {  	[sflag:s14] =	ssyncadd.s32 $0xFFFFC000  }
0x2f: {  	s21 =	simm.s32 $0x0;
	[bflag:$0x0] =	sbarrier.arrive $0xFFFF  }
0x30: {  	[spmem:s2] =	stream.indirect.scatter.add.f32 [tilespmem:s15], [sflag:$0x1], $0x80, s21, s17, $0xb8;
	[tilespmem:$0x1E800] =	vst v63  }
0x31: {  	_ =	swait.ge [sflag:s14], $0x4000  }
0x32: {  	s21 =	simm.s32 $0x200;
	[sflag:s14] =	ssyncset.done $0x0  }
.LBB2_2:
0x33: {  	s22 =	sshra.s32 s21, $0x2;
	[sflag:s14] =	ssyncadd.s32 $0xFFFFC000;
	p0 =	sne.s32 s21, $0x9E00  }
0x34: {  	[spmem:s2] =	stream.indirect.scatter.add.f32 [tilespmem:s15], [sflag:$0x1], $0x80, s22, s17, $0xb8;
	[tilespmem:$0x1E800] =	vst v63  }
.Ltmp0:
0x35: {  	_ = 	snop;
	(pc) =	sbr.rel @p0 .LBB2_2-.Ltmp0, $4  }
0x36: {  	_ = 	snop  }
0x37: {  	s21 =	sadd.s32 $0x200, s21  }
0x38: {  	_ =	swait.ge [sflag:s14], $0x4000  }
0x39: {  	[sflag:s14] =	ssyncset.done $0x0  }
0x3a: {  	s20 =	sadd.s32 $0x1, s20  }
0x3b: {  	[sflag:s14] =	ssyncadd.s32 $0xFFFFC000;
	p0 =	sne.s32 s20, s9  }
.Ltmp1:
0x3c: {  	[bflag:$0x0] =	sbarrier.arrive $0xFFFF;
	(pc) =	sbr.rel @p0 .LBB2_1-.Ltmp1, $4  }
0x3d: {  	[hbm:s8], [sflag:s18] =	dma.local [spmem:s19], $0x2800  }
0x3e: {  	_ =	swait.ge [sflag:s14], $0x2800  }
0x3f: {  	[sflag:s14] =	ssyncset.done $0x0  }
0x40: {  	[sflag:s14] =	ssyncadd.s32 $0xFFFFD800  }
0x41: {  	_ =	sfence.sel $0x180000  }
0x42: {  	[bflag:$0x0] =	sbarrier.arrive $0xFFFF  }
0x43: {  	p0 =	sne.s32 s0, $0x0;
	_ =	strace $0x9000004D  }
0x44: {  	s0 =	sadd.s32 @!p0 $0x100000, s1;
	[bflag:$0x2] =	sbarrier.arrive $0xFFFF  }
0x45: {  	[sflag:s0] =	ssyncadd.tile.s32 @!p0 $0x1;
	_ =	shalt  }
.Lfunc_end2:
_tile_overlayer_lowered:
.L_overlay_start_2:
0x46: {  	(tag) =	ssettag $0x2  }
0x47: {  	s0 =	rddreg [dreg:$0x0];
	s2 =	stileid.u32  }
0x48: {  	s1 =	rddreg [dreg:$0x1];
	p0 =	sne.s32 s2, $0x0  }
0x49: {  	s3 =	rddreg [dreg:$0x2];
	[bflag:$0x3] =	sbarrier.arrive $0xFFFF;
	s2 =	simm.s32 @!p0 $0x1C01  }
0x4a: {  	[timem:s3], [sflag:s2] =	dma.local @!p0 [hbm:s0], s1  }
0x4b: {  	s0 =	simm.s32 @!p0 $0x1  }
0x4c: {  	_ =	swait.ge @!p0 [sflag:s0], s1  }
0x4d: {  	s1 =	ssub.s32 @!p0 $0x0, s1;
	[sflag:s0] =	ssyncset.done @!p0 $0x0  }
0x4e: {  	[sflag:s0] =	ssyncadd.s32 @!p0 s1  }
0x4f: {  	[bflag:$0x3] =	sbarrier.arrive $0xFFFF  }
0x50: {  	_ =	shalt  }

</sc_bundles>
